<compile_context>
chip_gen: v7x
topology: tpu7x:2x2x1
jax: 0.10.2.dev20260603
libtpu: 0.0.44.dev20260713+nightly
codegen_flags: <defaults>
</compile_context>

<pallas_src>
import functools

import jax
import jax.numpy as jnp
from jax import lax
from jax.experimental import pallas as pl
from jax.experimental.pallas import tpu as pltpu
from jax.experimental.pallas import tpu_sc as plsc

NC = 2
NS = 16
NW = NC * NS
L = 16


def _build(M, K, NF, NP):
    rpw = M // NW
    CW = 128
    C = rpw // CW
    P = 32
    NPIECE = CW // P
    TP = C * NPIECE
    NG = NP // L
    PW = P * K

    mesh = plsc.VectorSubcoreMesh(core_axis_name="c", subcore_axis_name="s")

    @functools.partial(
        pl.kernel,
        out_type=jax.ShapeDtypeStruct((NF, M), jnp.float32),
        mesh=mesh,
        scratch_types=[
            pltpu.VMEM((NP,), jnp.int32),
            pltpu.VMEM((NP,), jnp.int32),
            pltpu.VMEM((NP,), jnp.int32),
            pltpu.VMEM((PW,), jnp.float32),
            pltpu.VMEM((PW,), jnp.float32),
            pltpu.VMEM((NF, CW), jnp.float32),
            pltpu.VMEM((NF, CW), jnp.float32),
            pltpu.SemaphoreType.DMA,
            pltpu.SemaphoreType.DMA,
            pltpu.SemaphoreType.DMA,
            pltpu.SemaphoreType.DMA,
        ],
        compiler_params=pltpu.CompilerParams(
            use_tc_tiling_on_sc=True,
            needs_layout_passes=False,
            disable_bounds_checks=True,
        ),
    )
    def k(x_hbm, idx_hbm, out_hbm, idxv, colt, jvt, xpa, xpb,
          outa, outb, isa, isb, osa, osb):
        xps, outs = [xpa, xpb], [outa, outb]
        isems, osems = [isa, isb], [osa, osb]
        wid = lax.axis_index("s") * NC + lax.axis_index("c")
        row0 = wid * rpw
        iota = lax.iota(jnp.int32, L)

        def issue_in(n, b):
            return pltpu.async_copy(
                x_hbm.at[pl.ds((row0 + n * P) * K, PW)], xps[b], isems[b]
            )

        issue_in(0, 0)

        pltpu.sync_copy(idx_hbm, idxv)
        for g in range(NG):
            v = idxv[pl.ds(g * L, L)]
            colt[pl.ds(g * L, L)] = (v >> 7) * 1024 + (v & 127)
            j0 = g * L if g < NG - 1 else NF - L
            jvt[pl.ds(g * L, L)] = iota + j0

        def wait_in(b):
            pltpu.make_async_copy(
                x_hbm.at[pl.ds(0, PW)], xps[b], isems[b]
            ).wait()

        def issue_out(ch, b):
            return pltpu.async_copy(
                outs[b],
                out_hbm.at[:, pl.ds(row0 + ch * CW, CW)],
                osems[b],
            )

        def wait_out(b):
            pltpu.make_async_copy(
                outs[b], out_hbm.at[:, pl.ds(0, CW)], osems[b]
            ).wait()

        def compute_piece(xp, outv, col0):
            @plsc.parallel_loop(0, NG)
            def gbody(g):
                g16 = pl.multiple_of(g * L, L)
                colp = colt[pl.ds(g16, L)]
                jv = jvt[pl.ds(g16, L)]

                @plsc.parallel_loop(0, L, unroll=2)
                def tbody(t):
                    m = (iota + t) & 15
                    ro = ((m >> 3) << 12) + ((m & 7) << 7)
                    gb = colp + ro
                    sb = m + col0
                    for b in range(P // L):
                        vals = plsc.load_gather(xp, [gb + b * 8192])
                        plsc.store_scatter(outv, [jv, sb + b * L], vals)

        def citer(it, _):
            for cc in range(2):
                ch = 2 * it + cc
                for q in range(NPIECE):
                    n = ch * NPIECE + q
                    wait_in(q & 1)

                    @pl.when(n + 1 < TP)
                    def _():
                        issue_in(n + 1, (q + 1) & 1)

                    if q == 0:
                        @pl.when(ch >= 2)
                        def _():
                            wait_out(cc)

                    compute_piece(xps[q & 1], outs[cc], q * P)
                issue_out(ch, cc)
            return 0

        lax.fori_loop(0, C // 2, citer, 0)
        wait_out(0)
        wait_out(1)

    return k


def kernel(x, feature_indices):
    M, K = x.shape
    NF = feature_indices.shape[0]
    G = NF // L
    rem = NF % L
    if rem:
        idx_pad = jnp.concatenate(
            [feature_indices[: G * L], feature_indices[NF - L :]]
        )
    else:
        idx_pad = feature_indices
    NP = idx_pad.shape[0]

    x1 = jnp.transpose(
        x.reshape(M // 8, 8, K // 128, 128), (0, 2, 1, 3)
    ).reshape(-1)

    k = _build(M, K, NF, NP)
    outT = k(x1, idx_pad.astype(jnp.int32))
    return outT.T

# --- scband reference (transcript-rebuilt; emitter-appended) ---
"""Pipeline reference for scband-feature-selector-18880676233649 (READ-ONLY COPY).

The authoritative reference and input builder live on the scoring server;
editing this copy changes nothing except your own understanding.
"""

import jax, jax.numpy as jnp
import numpy as np

INPUT_DIM = 512
FEATURE_RATIO = 0.7
TREE_IDX = 3
NUM_FEATURES = max(int(INPUT_DIM * FEATURE_RATIO), 1)  # 358


def setup_inputs(seed: int = 0) -> dict:
    key = jax.random.key(seed)
    kx, kperm = jax.random.split(key)
    x = jax.random.normal(kx, (16384, INPUT_DIM), dtype=jnp.float32)
    # Emulate torch.manual_seed(tree_idx*42); torch.randperm(input_dim)[:num_features].sort()[0]
    # Exact RNG stream differs from torch, but structure is identical: a sorted,
    # duplicate-free random subset of feature indices of size NUM_FEATURES.
    perm = jax.random.permutation(jax.random.fold_in(kperm, TREE_IDX * 42), INPUT_DIM)
    feature_indices = jnp.sort(perm[:NUM_FEATURES]).astype(jnp.int32)
    return {"x": x, "feature_indices": feature_indices}


def reference(x, feature_indices):
    # forward: x[:, feature_indices] for 2-D input (gather along last dim)
    if x.ndim == 3:
        return jnp.take(x, feature_indices, axis=2)
    else:
        return jnp.take(x, feature_indices, axis=1)

if __name__ == "__main__":
    import jax
    _d = setup_inputs()
    print(jax.jit(kernel)(*tuple(_d.values())))

</pallas_src>

<mosaic_0001>
#map = affine_map<(d0, d1) -> (0)>
#map1 = affine_map<(d0, d1) -> (0, 0)>
module attributes {stable_mosaic.version = 14 : i64} {
  func.func @k(%arg0: i32, %arg1: i32, %arg2: memref<8388608xf32, #tpu.memory_space<hbm>>, %arg3: memref<368xi32, #tpu.memory_space<hbm>>, %arg4: memref<358x16384xf32, #tpu.memory_space<hbm>>, %arg5: memref<368xi32, #tpu.memory_space<vmem>>, %arg6: memref<368xi32, #tpu.memory_space<vmem>>, %arg7: memref<368xi32, #tpu.memory_space<vmem>>, %arg8: memref<16384xf32, #tpu.memory_space<vmem>>, %arg9: memref<16384xf32, #tpu.memory_space<vmem>>, %arg10: memref<358x128xf32, #tpu.memory_space<vmem>>, %arg11: memref<358x128xf32, #tpu.memory_space<vmem>>, %arg12: memref<!tpu.dma_semaphore, #tpu.memory_space<semaphore_mem>>, %arg13: memref<!tpu.dma_semaphore, #tpu.memory_space<semaphore_mem>>, %arg14: memref<!tpu.dma_semaphore, #tpu.memory_space<semaphore_mem>>, %arg15: memref<!tpu.dma_semaphore, #tpu.memory_space<semaphore_mem>>) attributes {dimension_semantics = [#tpu.dimension_semantics<core_parallel>, #tpu.dimension_semantics<subcore_parallel>], iteration_bounds = array<i64: 2, 16>, scalar_prefetch = 0 : i64, scratch_operands = 11 : i64, tpu.core_type = #tpu.core_type<sc_vector_subcore>, window_params = [{transform_indices = #map}, {transform_indices = #map}, {transform_indices = #map1}]} {
    %mul3A = arith.constant 2 : i32
    %mul3A_0 = arith.muli %arg1, %mul3A : i32
    %add3A = arith.addi %mul3A_0, %arg0 : i32
    %mul3A_1 = arith.constant 512 : i32
    %mul3A_2 = arith.muli %add3A, %mul3A_1 : i32
    %iota3A = tpu.iota {dimensions = array<i32: 0>} : vector<16xi32>
    %add3A_3 = arith.constant 0 : i32
    %add3A_4 = arith.addi %mul3A_2, %add3A_3 : i32
    %mul3A_5 = arith.constant 512 : i32
    %mul3A_6 = arith.muli %add3A_4, %mul3A_5 : i32
    %dma_start3A = tpu.memref_slice %arg2[%mul3A_6] : memref<8388608xf32, #tpu.memory_space<hbm>> -> memref<16384xf32, #tpu.memory_space<hbm>>
    %dma_start3A_7 = tpu.memref_slice %arg2[%mul3A_6] : memref<8388608xf32, #tpu.memory_space<hbm>> -> memref<16384xf32, #tpu.memory_space<hbm>>
    tpu.enqueue_dma source(%dma_start3A_7 : memref<16384xf32, #tpu.memory_space<hbm>>) target(%arg8 : memref<16384xf32, #tpu.memory_space<vmem>>) target_semaphore(%arg12 : memref<!tpu.dma_semaphore, #tpu.memory_space<semaphore_mem>>)
    "tpu.region"() ({
      %run_scoped3A = tpu.sem_alloc : memref<!tpu.dma_semaphore, #tpu.memory_space<semaphore_mem>>
      tpu.enqueue_dma source(%arg3 : memref<368xi32, #tpu.memory_space<hbm>>) target(%arg5 : memref<368xi32, #tpu.memory_space<vmem>>) target_semaphore(%run_scoped3A : memref<!tpu.dma_semaphore, #tpu.memory_space<semaphore_mem>>)
      tpu.wait_dma2 semaphore(%run_scoped3A : memref<!tpu.dma_semaphore, #tpu.memory_space<semaphore_mem>>) src(%arg3 : memref<368xi32, #tpu.memory_space<hbm>>) dst(%arg5 : memref<368xi32, #tpu.memory_space<vmem>>)
      tpu.yield
    }) : () -> ()
    %get3A = arith.constant 0 : index
    %get3A_8 = tpu.vector_load %arg5[%get3A] {strides = array<i32>} : memref<368xi32, #tpu.memory_space<vmem>>, vector<16xi32>,
    %shift_right_arithmetic3A = arith.constant 7 : i32
    %shift_right_arithmetic3A_9 = vector.broadcast %shift_right_arithmetic3A : i32 to vector<16xi32>
    %shift_right_arithmetic3A_10 = arith.shrsi %get3A_8, %shift_right_arithmetic3A_9 : vector<16xi32>
    %mul3A_11 = arith.constant 1024 : i32
    %mul3A_12 = vector.broadcast %mul3A_11 : i32 to vector<16xi32>
    %mul3A_13 = arith.muli %shift_right_arithmetic3A_10, %mul3A_12 : vector<16xi32>
    %and3A = arith.constant 127 : i32
    %and3A_14 = vector.broadcast %and3A : i32 to vector<16xi32>
    %and3A_15 = arith.andi %get3A_8, %and3A_14 : vector<16xi32>
    %add3A_16 = arith.addi %mul3A_13, %and3A_15 : vector<16xi32>
    %swap3A = arith.constant 0 : index
    %swap3A_17 = tpu.vector_load %arg6[%swap3A] {strides = array<i32>} : memref<368xi32, #tpu.memory_space<vmem>>, vector<16xi32>,
    tpu.vector_store %arg6[%swap3A], %add3A_16 {strides = array<i32>} : memref<368xi32, #tpu.memory_space<vmem>>, vector<16xi32>,
    %add3A_18 = arith.constant 0 : i32
    %add3A_19 = vector.broadcast %add3A_18 : i32 to vector<16xi32>
    %add3A_20 = arith.addi %iota3A, %add3A_19 : vector<16xi32>
    %swap3A_21 = arith.constant 0 : index
    %swap3A_22 = tpu.vector_load %arg7[%swap3A_21] {strides = array<i32>} : memref<368xi32, #tpu.memory_space<vmem>>, vector<16xi32>,
    tpu.vector_store %arg7[%swap3A_21], %add3A_20 {strides = array<i32>} : memref<368xi32, #tpu.memory_space<vmem>>, vector<16xi32>,
    %get3A_23 = arith.constant 16 : index
    %get3A_24 = tpu.vector_load %arg5[%get3A_23] {strides = array<i32>} : memref<368xi32, #tpu.memory_space<vmem>>, vector<16xi32>,
    %shift_right_arithmetic3A_25 = arith.constant 7 : i32
    %shift_right_arithmetic3A_26 = vector.broadcast %shift_right_arithmetic3A_25 : i32 to vector<16xi32>
    %shift_right_arithmetic3A_27 = arith.shrsi %get3A_24, %shift_right_arithmetic3A_26 : vector<16xi32>
    %mul3A_28 = arith.constant 1024 : i32
    %mul3A_29 = vector.broadcast %mul3A_28 : i32 to vector<16xi32>
    %mul3A_30 = arith.muli %shift_right_arithmetic3A_27, %mul3A_29 : vector<16xi32>
    %and3A_31 = arith.constant 127 : i32
    %and3A_32 = vector.broadcast %and3A_31 : i32 to vector<16xi32>
    %and3A_33 = arith.andi %get3A_24, %and3A_32 : vector<16xi32>
    %add3A_34 = arith.addi %mul3A_30, %and3A_33 : vector<16xi32>
    %swap3A_35 = arith.constant 16 : index
    %swap3A_36 = tpu.vector_load %arg6[%swap3A_35] {strides = array<i32>} : memref<368xi32, #tpu.memory_space<vmem>>, vector<16xi32>,
    tpu.vector_store %arg6[%swap3A_35], %add3A_34 {strides = array<i32>} : memref<368xi32, #tpu.memory_space<vmem>>, vector<16xi32>,
    %add3A_37 = arith.constant 16 : i32
    %add3A_38 = vector.broadcast %add3A_37 : i32 to vector<16xi32>
    %add3A_39 = arith.addi %iota3A, %add3A_38 : vector<16xi32>
    %swap3A_40 = arith.constant 16 : index
    %swap3A_41 = tpu.vector_load %arg7[%swap3A_40] {strides = array<i32>} : memref<368xi32, #tpu.memory_space<vmem>>, vector<16xi32>,
    tpu.vector_store %arg7[%swap3A_40], %add3A_39 {strides = array<i32>} : memref<368xi32, #tpu.memory_space<vmem>>, vector<16xi32>,
    %get3A_42 = arith.constant 32 : index
    %get3A_43 = tpu.vector_load %arg5[%get3A_42] {strides = array<i32>} : memref<368xi32, #tpu.memory_space<vmem>>, vector<16xi32>,
    %shift_right_arithmetic3A_44 = arith.constant 7 : i32
    %shift_right_arithmetic3A_45 = vector.broadcast %shift_right_arithmetic3A_44 : i32 to vector<16xi32>
    %shift_right_arithmetic3A_46 = arith.shrsi %get3A_43, %shift_right_arithmetic3A_45 : vector<16xi32>
    %mul3A_47 = arith.constant 1024 : i32
    %mul3A_48 = vector.broadcast %mul3A_47 : i32 to vector<16xi32>
    %mul3A_49 = arith.muli %shift_right_arithmetic3A_46, %mul3A_48 : vector<16xi32>
    %and3A_50 = arith.constant 127 : i32
    %and3A_51 = vector.broadcast %and3A_50 : i32 to vector<16xi32>
    %and3A_52 = arith.andi %get3A_43, %and3A_51 : vector<16xi32>
    %add3A_53 = arith.addi %mul3A_49, %and3A_52 : vector<16xi32>
    %swap3A_54 = arith.constant 32 : index
    %swap3A_55 = tpu.vector_load %arg6[%swap3A_54] {strides = array<i32>} : memref<368xi32, #tpu.memory_space<vmem>>, vector<16xi32>,
    tpu.vector_store %arg6[%swap3A_54], %add3A_53 {strides = array<i32>} : memref<368xi32, #tpu.memory_space<vmem>>, vector<16xi32>,
    %add3A_56 = arith.constant 32 : i32
    %add3A_57 = vector.broadcast %add3A_56 : i32 to vector<16xi32>
    %add3A_58 = arith.addi %iota3A, %add3A_57 : vector<16xi32>
    %swap3A_59 = arith.constant 32 : index
    %swap3A_60 = tpu.vector_load %arg7[%swap3A_59] {strides = array<i32>} : memref<368xi32, #tpu.memory_space<vmem>>, vector<16xi32>,
    tpu.vector_store %arg7[%swap3A_59], %add3A_58 {strides = array<i32>} : memref<368xi32, #tpu.memory_space<vmem>>, vector<16xi32>,
    %get3A_61 = arith.constant 48 : index
    %get3A_62 = tpu.vector_load %arg5[%get3A_61] {strides = array<i32>} : memref<368xi32, #tpu.memory_space<vmem>>, vector<16xi32>,
    %shift_right_arithmetic3A_63 = arith.constant 7 : i32
    %shift_right_arithmetic3A_64 = vector.broadcast %shift_right_arithmetic3A_63 : i32 to vector<16xi32>
    %shift_right_arithmetic3A_65 = arith.shrsi %get3A_62, %shift_right_arithmetic3A_64 : vector<16xi32>
    %mul3A_66 = arith.constant 1024 : i32
    %mul3A_67 = vector.broadcast %mul3A_66 : i32 to vector<16xi32>
    %mul3A_68 = arith.muli %shift_right_arithmetic3A_65, %mul3A_67 : vector<16xi32>
    %and3A_69 = arith.constant 127 : i32
    %and3A_70 = vector.broadcast %and3A_69 : i32 to vector<16xi32>
    %and3A_71 = arith.andi %get3A_62, %and3A_70 : vector<16xi32>
    %add3A_72 = arith.addi %mul3A_68, %and3A_71 : vector<16xi32>
    %swap3A_73 = arith.constant 48 : index
    %swap3A_74 = tpu.vector_load %arg6[%swap3A_73] {strides = array<i32>} : memref<368xi32, #tpu.memory_space<vmem>>, vector<16xi32>,
    tpu.vector_store %arg6[%swap3A_73], %add3A_72 {strides = array<i32>} : memref<368xi32, #tpu.memory_space<vmem>>, vector<16xi32>,
    %add3A_75 = arith.constant 48 : i32
    %add3A_76 = vector.broadcast %add3A_75 : i32 to vector<16xi32>
    %add3A_77 = arith.addi %iota3A, %add3A_76 : vector<16xi32>
    %swap3A_78 = arith.constant 48 : index
    %swap3A_79 = tpu.vector_load %arg7[%swap3A_78] {strides = array<i32>} : memref<368xi32, #tpu.memory_space<vmem>>, vector<16xi32>,
    tpu.vector_store %arg7[%swap3A_78], %add3A_77 {strides = array<i32>} : memref<368xi32, #tpu.memory_space<vmem>>, vector<16xi32>,
    %get3A_80 = arith.constant 64 : index
    %get3A_81 = tpu.vector_load %arg5[%get3A_80] {strides = array<i32>} : memref<368xi32, #tpu.memory_space<vmem>>, vector<16xi32>,
    %shift_right_arithmetic3A_82 = arith.constant 7 : i32
    %shift_right_arithmetic3A_83 = vector.broadcast %shift_right_arithmetic3A_82 : i32 to vector<16xi32>
    %shift_right_arithmetic3A_84 = arith.shrsi %get3A_81, %shift_right_arithmetic3A_83 : vector<16xi32>
    %mul3A_85 = arith.constant 1024 : i32
    %mul3A_86 = vector.broadcast %mul3A_85 : i32 to vector<16xi32>
    %mul3A_87 = arith.muli %shift_right_arithmetic3A_84, %mul3A_86 : vector<16xi32>
    %and3A_88 = arith.constant 127 : i32
    %and3A_89 = vector.broadcast %and3A_88 : i32 to vector<16xi32>
    %and3A_90 = arith.andi %get3A_81, %and3A_89 : vector<16xi32>
    %add3A_91 = arith.addi %mul3A_87, %and3A_90 : vector<16xi32>
    %swap3A_92 = arith.constant 64 : index
    %swap3A_93 = tpu.vector_load %arg6[%swap3A_92] {strides = array<i32>} : memref<368xi32, #tpu.memory_space<vmem>>, vector<16xi32>,
    tpu.vector_store %arg6[%swap3A_92], %add3A_91 {strides = array<i32>} : memref<368xi32, #tpu.memory_space<vmem>>, vector<16xi32>,
    %add3A_94 = arith.constant 64 : i32
    %add3A_95 = vector.broadcast %add3A_94 : i32 to vector<16xi32>
    %add3A_96 = arith.addi %iota3A, %add3A_95 : vector<16xi32>
    %swap3A_97 = arith.constant 64 : index
    %swap3A_98 = tpu.vector_load %arg7[%swap3A_97] {strides = array<i32>} : memref<368xi32, #tpu.memory_space<vmem>>, vector<16xi32>,
    tpu.vector_store %arg7[%swap3A_97], %add3A_96 {strides = array<i32>} : memref<368xi32, #tpu.memory_space<vmem>>, vector<16xi32>,
    %get3A_99 = arith.constant 80 : index
    %get3A_100 = tpu.vector_load %arg5[%get3A_99] {strides = array<i32>} : memref<368xi32, #tpu.memory_space<vmem>>, vector<16xi32>,
    %shift_right_arithmetic3A_101 = arith.constant 7 : i32
    %shift_right_arithmetic3A_102 = vector.broadcast %shift_right_arithmetic3A_101 : i32 to vector<16xi32>
    %shift_right_arithmetic3A_103 = arith.shrsi %get3A_100, %shift_right_arithmetic3A_102 : vector<16xi32>
    %mul3A_104 = arith.constant 1024 : i32
    %mul3A_105 = vector.broadcast %mul3A_104 : i32 to vector<16xi32>
    %mul3A_106 = arith.muli %shift_right_arithmetic3A_103, %mul3A_105 : vector<16xi32>
    %and3A_107 = arith.constant 127 : i32
    %and3A_108 = vector.broadcast %and3A_107 : i32 to vector<16xi32>
    %and3A_109 = arith.andi %get3A_100, %and3A_108 : vector<16xi32>
    %add3A_110 = arith.addi %mul3A_106, %and3A_109 : vector<16xi32>
    %swap3A_111 = arith.constant 80 : index
    %swap3A_112 = tpu.vector_load %arg6[%swap3A_111] {strides = array<i32>} : memref<368xi32, #tpu.memory_space<vmem>>, vector<16xi32>,
    tpu.vector_store %arg6[%swap3A_111], %add3A_110 {strides = array<i32>} : memref<368xi32, #tpu.memory_space<vmem>>, vector<16xi32>,
    %add3A_113 = arith.constant 80 : i32
    %add3A_114 = vector.broadcast %add3A_113 : i32 to vector<16xi32>
    %add3A_115 = arith.addi %iota3A, %add3A_114 : vector<16xi32>
    %swap3A_116 = arith.constant 80 : index
    %swap3A_117 = tpu.vector_load %arg7[%swap3A_116] {strides = array<i32>} : memref<368xi32, #tpu.memory_space<vmem>>, vector<16xi32>,
    tpu.vector_store %arg7[%swap3A_116], %add3A_115 {strides = array<i32>} : memref<368xi32, #tpu.memory_space<vmem>>, vector<16xi32>,
    %get3A_118 = arith.constant 96 : index
    %get3A_119 = tpu.vector_load %arg5[%get3A_118] {strides = array<i32>} : memref<368xi32, #tpu.memory_space<vmem>>, vector<16xi32>,
    %shift_right_arithmetic3A_120 = arith.constant 7 : i32
    %shift_right_arithmetic3A_121 = vector.broadcast %shift_right_arithmetic3A_120 : i32 to vector<16xi32>
    %shift_right_arithmetic3A_122 = arith.shrsi %get3A_119, %shift_right_arithmetic3A_121 : vector<16xi32>
    %mul3A_123 = arith.constant 1024 : i32
    %mul3A_124 = vector.broadcast %mul3A_123 : i32 to vector<16xi32>
    %mul3A_125 = arith.muli %shift_right_arithmetic3A_122, %mul3A_124 : vector<16xi32>
    %and3A_126 = arith.constant 127 : i32
    %and3A_127 = vector.broadcast %and3A_126 : i32 to vector<16xi32>
    %and3A_128 = arith.andi %get3A_119, %and3A_127 : vector<16xi32>
    %add3A_129 = arith.addi %mul3A_125, %and3A_128 : vector<16xi32>
    %swap3A_130 = arith.constant 96 : index
    %swap3A_131 = tpu.vector_load %arg6[%swap3A_130] {strides = array<i32>} : memref<368xi32, #tpu.memory_space<vmem>>, vector<16xi32>,
    tpu.vector_store %arg6[%swap3A_130], %add3A_129 {strides = array<i32>} : memref<368xi32, #tpu.memory_space<vmem>>, vector<16xi32>,
    %add3A_132 = arith.constant 96 : i32
    %add3A_133 = vector.broadcast %add3A_132 : i32 to vector<16xi32>
    %add3A_134 = arith.addi %iota3A, %add3A_133 : vector<16xi32>
    %swap3A_135 = arith.constant 96 : index
    %swap3A_136 = tpu.vector_load %arg7[%swap3A_135] {strides = array<i32>} : memref<368xi32, #tpu.memory_space<vmem>>, vector<16xi32>,
    tpu.vector_store %arg7[%swap3A_135], %add3A_134 {strides = array<i32>} : memref<368xi32, #tpu.memory_space<vmem>>, vector<16xi32>,
    %get3A_137 = arith.constant 112 : index
    %get3A_138 = tpu.vector_load %arg5[%get3A_137] {strides = array<i32>} : memref<368xi32, #tpu.memory_space<vmem>>, vector<16xi32>,
    %shift_right_arithmetic3A_139 = arith.constant 7 : i32
    %shift_right_arithmetic3A_140 = vector.broadcast %shift_right_arithmetic3A_139 : i32 to vector<16xi32>
    %shift_right_arithmetic3A_141 = arith.shrsi %get3A_138, %shift_right_arithmetic3A_140 : vector<16xi32>
    %mul3A_142 = arith.constant 1024 : i32
    %mul3A_143 = vector.broadcast %mul3A_142 : i32 to vector<16xi32>
    %mul3A_144 = arith.muli %shift_right_arithmetic3A_141, %mul3A_143 : vector<16xi32>
    %and3A_145 = arith.constant 127 : i32
    %and3A_146 = vector.broadcast %and3A_145 : i32 to vector<16xi32>
    %and3A_147 = arith.andi %get3A_138, %and3A_146 : vector<16xi32>
    %add3A_148 = arith.addi %mul3A_144, %and3A_147 : vector<16xi32>
    %swap3A_149 = arith.constant 112 : index
    %swap3A_150 = tpu.vector_load %arg6[%swap3A_149] {strides = array<i32>} : memref<368xi32, #tpu.memory_space<vmem>>, vector<16xi32>,
    tpu.vector_store %arg6[%swap3A_149], %add3A_148 {strides = array<i32>} : memref<368xi32, #tpu.memory_space<vmem>>, vector<16xi32>,
    %add3A_151 = arith.constant 112 : i32
    %add3A_152 = vector.broadcast %add3A_151 : i32 to vector<16xi32>
    %add3A_153 = arith.addi %iota3A, %add3A_152 : vector<16xi32>
    %swap3A_154 = arith.constant 112 : index
    %swap3A_155 = tpu.vector_load %arg7[%swap3A_154] {strides = array<i32>} : memref<368xi32, #tpu.memory_space<vmem>>, vector<16xi32>,
    tpu.vector_store %arg7[%swap3A_154], %add3A_153 {strides = array<i32>} : memref<368xi32, #tpu.memory_space<vmem>>, vector<16xi32>,
    %get3A_156 = arith.constant 128 : index
    %get3A_157 = tpu.vector_load %arg5[%get3A_156] {strides = array<i32>} : memref<368xi32, #tpu.memory_space<vmem>>, vector<16xi32>,
    %shift_right_arithmetic3A_158 = arith.constant 7 : i32
    %shift_right_arithmetic3A_159 = vector.broadcast %shift_right_arithmetic3A_158 : i32 to vector<16xi32>
    %shift_right_arithmetic3A_160 = arith.shrsi %get3A_157, %shift_right_arithmetic3A_159 : vector<16xi32>
    %mul3A_161 = arith.constant 1024 : i32
    %mul3A_162 = vector.broadcast %mul3A_161 : i32 to vector<16xi32>
    %mul3A_163 = arith.muli %shift_right_arithmetic3A_160, %mul3A_162 : vector<16xi32>
    %and3A_164 = arith.constant 127 : i32
    %and3A_165 = vector.broadcast %and3A_164 : i32 to vector<16xi32>
    %and3A_166 = arith.andi %get3A_157, %and3A_165 : vector<16xi32>
    %add3A_167 = arith.addi %mul3A_163, %and3A_166 : vector<16xi32>
    %swap3A_168 = arith.constant 128 : index
    %swap3A_169 = tpu.vector_load %arg6[%swap3A_168] {strides = array<i32>} : memref<368xi32, #tpu.memory_space<vmem>>, vector<16xi32>,
    tpu.vector_store %arg6[%swap3A_168], %add3A_167 {strides = array<i32>} : memref<368xi32, #tpu.memory_space<vmem>>, vector<16xi32>,
    %add3A_170 = arith.constant 128 : i32
    %add3A_171 = vector.broadcast %add3A_170 : i32 to vector<16xi32>
    %add3A_172 = arith.addi %iota3A, %add3A_171 : vector<16xi32>
    %swap3A_173 = arith.constant 128 : index
    %swap3A_174 = tpu.vector_load %arg7[%swap3A_173] {strides = array<i32>} : memref<368xi32, #tpu.memory_space<vmem>>, vector<16xi32>,
    tpu.vector_store %arg7[%swap3A_173], %add3A_172 {strides = array<i32>} : memref<368xi32, #tpu.memory_space<vmem>>, vector<16xi32>,
    %get3A_175 = arith.constant 144 : index
    %get3A_176 = tpu.vector_load %arg5[%get3A_175] {strides = array<i32>} : memref<368xi32, #tpu.memory_space<vmem>>, vector<16xi32>,
    %shift_right_arithmetic3A_177 = arith.constant 7 : i32
    %shift_right_arithmetic3A_178 = vector.broadcast %shift_right_arithmetic3A_177 : i32 to vector<16xi32>
    %shift_right_arithmetic3A_179 = arith.shrsi %get3A_176, %shift_right_arithmetic3A_178 : vector<16xi32>
    %mul3A_180 = arith.constant 1024 : i32
    %mul3A_181 = vector.broadcast %mul3A_180 : i32 to vector<16xi32>
    %mul3A_182 = arith.muli %shift_right_arithmetic3A_179, %mul3A_181 : vector<16xi32>
    %and3A_183 = arith.constant 127 : i32
    %and3A_184 = vector.broadcast %and3A_183 : i32 to vector<16xi32>
    %and3A_185 = arith.andi %get3A_176, %and3A_184 : vector<16xi32>
    %add3A_186 = arith.addi %mul3A_182, %and3A_185 : vector<16xi32>
    %swap3A_187 = arith.constant 144 : index
    %swap3A_188 = tpu.vector_load %arg6[%swap3A_187] {strides = array<i32>} : memref<368xi32, #tpu.memory_space<vmem>>, vector<16xi32>,
    tpu.vector_store %arg6[%swap3A_187], %add3A_186 {strides = array<i32>} : memref<368xi32, #tpu.memory_space<vmem>>, vector<16xi32>,
    %add3A_189 = arith.constant 144 : i32
    %add3A_190 = vector.broadcast %add3A_189 : i32 to vector<16xi32>
    %add3A_191 = arith.addi %iota3A, %add3A_190 : vector<16xi32>
    %swap3A_192 = arith.constant 144 : index
    %swap3A_193 = tpu.vector_load %arg7[%swap3A_192] {strides = array<i32>} : memref<368xi32, #tpu.memory_space<vmem>>, vector<16xi32>,
    tpu.vector_store %arg7[%swap3A_192], %add3A_191 {strides = array<i32>} : memref<368xi32, #tpu.memory_space<vmem>>, vector<16xi32>,
    %get3A_194 = arith.constant 160 : index
    %get3A_195 = tpu.vector_load %arg5[%get3A_194] {strides = array<i32>} : memref<368xi32, #tpu.memory_space<vmem>>, vector<16xi32>,
    %shift_right_arithmetic3A_196 = arith.constant 7 : i32
    %shift_right_arithmetic3A_197 = vector.broadcast %shift_right_arithmetic3A_196 : i32 to vector<16xi32>
    %shift_right_arithmetic3A_198 = arith.shrsi %get3A_195, %shift_right_arithmetic3A_197 : vector<16xi32>
    %mul3A_199 = arith.constant 1024 : i32
    %mul3A_200 = vector.broadcast %mul3A_199 : i32 to vector<16xi32>
    %mul3A_201 = arith.muli %shift_right_arithmetic3A_198, %mul3A_200 : vector<16xi32>
    %and3A_202 = arith.constant 127 : i32
    %and3A_203 = vector.broadcast %and3A_202 : i32 to vector<16xi32>
    %and3A_204 = arith.andi %get3A_195, %and3A_203 : vector<16xi32>
    %add3A_205 = arith.addi %mul3A_201, %and3A_204 : vector<16xi32>
    %swap3A_206 = arith.constant 160 : index
    %swap3A_207 = tpu.vector_load %arg6[%swap3A_206] {strides = array<i32>} : memref<368xi32, #tpu.memory_space<vmem>>, vector<16xi32>,
    tpu.vector_store %arg6[%swap3A_206], %add3A_205 {strides = array<i32>} : memref<368xi32, #tpu.memory_space<vmem>>, vector<16xi32>,
    %add3A_208 = arith.constant 160 : i32
    %add3A_209 = vector.broadcast %add3A_208 : i32 to vector<16xi32>
    %add3A_210 = arith.addi %iota3A, %add3A_209 : vector<16xi32>
    %swap3A_211 = arith.constant 160 : index
    %swap3A_212 = tpu.vector_load %arg7[%swap3A_211] {strides = array<i32>} : memref<368xi32, #tpu.memory_space<vmem>>, vector<16xi32>,
    tpu.vector_store %arg7[%swap3A_211], %add3A_210 {strides = array<i32>} : memref<368xi32, #tpu.memory_space<vmem>>, vector<16xi32>,
    %get3A_213 = arith.constant 176 : index
    %get3A_214 = tpu.vector_load %arg5[%get3A_213] {strides = array<i32>} : memref<368xi32, #tpu.memory_space<vmem>>, vector<16xi32>,
    %shift_right_arithmetic3A_215 = arith.constant 7 : i32
    %shift_right_arithmetic3A_216 = vector.broadcast %shift_right_arithmetic3A_215 : i32 to vector<16xi32>
    %shift_right_arithmetic3A_217 = arith.shrsi %get3A_214, %shift_right_arithmetic3A_216 : vector<16xi32>
    %mul3A_218 = arith.constant 1024 : i32
    %mul3A_219 = vector.broadcast %mul3A_218 : i32 to vector<16xi32>
    %mul3A_220 = arith.muli %shift_right_arithmetic3A_217, %mul3A_219 : vector<16xi32>
    %and3A_221 = arith.constant 127 : i32
    %and3A_222 = vector.broadcast %and3A_221 : i32 to vector<16xi32>
    %and3A_223 = arith.andi %get3A_214, %and3A_222 : vector<16xi32>
    %add3A_224 = arith.addi %mul3A_220, %and3A_223 : vector<16xi32>
    %swap3A_225 = arith.constant 176 : index
    %swap3A_226 = tpu.vector_load %arg6[%swap3A_225] {strides = array<i32>} : memref<368xi32, #tpu.memory_space<vmem>>, vector<16xi32>,
    tpu.vector_store %arg6[%swap3A_225], %add3A_224 {strides = array<i32>} : memref<368xi32, #tpu.memory_space<vmem>>, vector<16xi32>,
    %add3A_227 = arith.constant 176 : i32
    %add3A_228 = vector.broadcast %add3A_227 : i32 to vector<16xi32>
    %add3A_229 = arith.addi %iota3A, %add3A_228 : vector<16xi32>
    %swap3A_230 = arith.constant 176 : index
    %swap3A_231 = tpu.vector_load %arg7[%swap3A_230] {strides = array<i32>} : memref<368xi32, #tpu.memory_space<vmem>>, vector<16xi32>,
    tpu.vector_store %arg7[%swap3A_230], %add3A_229 {strides = array<i32>} : memref<368xi32, #tpu.memory_space<vmem>>, vector<16xi32>,
    %get3A_232 = arith.constant 192 : index
    %get3A_233 = tpu.vector_load %arg5[%get3A_232] {strides = array<i32>} : memref<368xi32, #tpu.memory_space<vmem>>, vector<16xi32>,
    %shift_right_arithmetic3A_234 = arith.constant 7 : i32
    %shift_right_arithmetic3A_235 = vector.broadcast %shift_right_arithmetic3A_234 : i32 to vector<16xi32>
    %shift_right_arithmetic3A_236 = arith.shrsi %get3A_233, %shift_right_arithmetic3A_235 : vector<16xi32>
    %mul3A_237 = arith.constant 1024 : i32
    %mul3A_238 = vector.broadcast %mul3A_237 : i32 to vector<16xi32>
    %mul3A_239 = arith.muli %shift_right_arithmetic3A_236, %mul3A_238 : vector<16xi32>
    %and3A_240 = arith.constant 127 : i32
    %and3A_241 = vector.broadcast %and3A_240 : i32 to vector<16xi32>
    %and3A_242 = arith.andi %get3A_233, %and3A_241 : vector<16xi32>
    %add3A_243 = arith.addi %mul3A_239, %and3A_242 : vector<16xi32>
    %swap3A_244 = arith.constant 192 : index
    %swap3A_245 = tpu.vector_load %arg6[%swap3A_244] {strides = array<i32>} : memref<368xi32, #tpu.memory_space<vmem>>, vector<16xi32>,
    tpu.vector_store %arg6[%swap3A_244], %add3A_243 {strides = array<i32>} : memref<368xi32, #tpu.memory_space<vmem>>, vector<16xi32>,
    %add3A_246 = arith.constant 192 : i32
    %add3A_247 = vector.broadcast %add3A_246 : i32 to vector<16xi32>
    %add3A_248 = arith.addi %iota3A, %add3A_247 : vector<16xi32>
    %swap3A_249 = arith.constant 192 : index
    %swap3A_250 = tpu.vector_load %arg7[%swap3A_249] {strides = array<i32>} : memref<368xi32, #tpu.memory_space<vmem>>, vector<16xi32>,
    tpu.vector_store %arg7[%swap3A_249], %add3A_248 {strides = array<i32>} : memref<368xi32, #tpu.memory_space<vmem>>, vector<16xi32>,
    %get3A_251 = arith.constant 208 : index
    %get3A_252 = tpu.vector_load %arg5[%get3A_251] {strides = array<i32>} : memref<368xi32, #tpu.memory_space<vmem>>, vector<16xi32>,
    %shift_right_arithmetic3A_253 = arith.constant 7 : i32
    %shift_right_arithmetic3A_254 = vector.broadcast %shift_right_arithmetic3A_253 : i32 to vector<16xi32>
    %shift_right_arithmetic3A_255 = arith.shrsi %get3A_252, %shift_right_arithmetic3A_254 : vector<16xi32>
    %mul3A_256 = arith.constant 1024 : i32
    %mul3A_257 = vector.broadcast %mul3A_256 : i32 to vector<16xi32>
    %mul3A_258 = arith.muli %shift_right_arithmetic3A_255, %mul3A_257 : vector<16xi32>
    %and3A_259 = arith.constant 127 : i32
    %and3A_260 = vector.broadcast %and3A_259 : i32 to vector<16xi32>
    %and3A_261 = arith.andi %get3A_252, %and3A_260 : vector<16xi32>
    %add3A_262 = arith.addi %mul3A_258, %and3A_261 : vector<16xi32>
    %swap3A_263 = arith.constant 208 : index
    %swap3A_264 = tpu.vector_load %arg6[%swap3A_263] {strides = array<i32>} : memref<368xi32, #tpu.memory_space<vmem>>, vector<16xi32>,
    tpu.vector_store %arg6[%swap3A_263], %add3A_262 {strides = array<i32>} : memref<368xi32, #tpu.memory_space<vmem>>, vector<16xi32>,
    %add3A_265 = arith.constant 208 : i32
    %add3A_266 = vector.broadcast %add3A_265 : i32 to vector<16xi32>
    %add3A_267 = arith.addi %iota3A, %add3A_266 : vector<16xi32>
    %swap3A_268 = arith.constant 208 : index
    %swap3A_269 = tpu.vector_load %arg7[%swap3A_268] {strides = array<i32>} : memref<368xi32, #tpu.memory_space<vmem>>, vector<16xi32>,
    tpu.vector_store %arg7[%swap3A_268], %add3A_267 {strides = array<i32>} : memref<368xi32, #tpu.memory_space<vmem>>, vector<16xi32>,
    %get3A_270 = arith.constant 224 : index
    %get3A_271 = tpu.vector_load %arg5[%get3A_270] {strides = array<i32>} : memref<368xi32, #tpu.memory_space<vmem>>, vector<16xi32>,
    %shift_right_arithmetic3A_272 = arith.constant 7 : i32
    %shift_right_arithmetic3A_273 = vector.broadcast %shift_right_arithmetic3A_272 : i32 to vector<16xi32>
    %shift_right_arithmetic3A_274 = arith.shrsi %get3A_271, %shift_right_arithmetic3A_273 : vector<16xi32>
    %mul3A_275 = arith.constant 1024 : i32
    %mul3A_276 = vector.broadcast %mul3A_275 : i32 to vector<16xi32>
    %mul3A_277 = arith.muli %shift_right_arithmetic3A_274, %mul3A_276 : vector<16xi32>
    %and3A_278 = arith.constant 127 : i32
    %and3A_279 = vector.broadcast %and3A_278 : i32 to vector<16xi32>
    %and3A_280 = arith.andi %get3A_271, %and3A_279 : vector<16xi32>
    %add3A_281 = arith.addi %mul3A_277, %and3A_280 : vector<16xi32>
    %swap3A_282 = arith.constant 224 : index
    %swap3A_283 = tpu.vector_load %arg6[%swap3A_282] {strides = array<i32>} : memref<368xi32, #tpu.memory_space<vmem>>, vector<16xi32>,
    tpu.vector_store %arg6[%swap3A_282], %add3A_281 {strides = array<i32>} : memref<368xi32, #tpu.memory_space<vmem>>, vector<16xi32>,
    %add3A_284 = arith.constant 224 : i32
    %add3A_285 = vector.broadcast %add3A_284 : i32 to vector<16xi32>
    %add3A_286 = arith.addi %iota3A, %add3A_285 : vector<16xi32>
    %swap3A_287 = arith.constant 224 : index
    %swap3A_288 = tpu.vector_load %arg7[%swap3A_287] {strides = array<i32>} : memref<368xi32, #tpu.memory_space<vmem>>, vector<16xi32>,
    tpu.vector_store %arg7[%swap3A_287], %add3A_286 {strides = array<i32>} : memref<368xi32, #tpu.memory_space<vmem>>, vector<16xi32>,
    %get3A_289 = arith.constant 240 : index
    %get3A_290 = tpu.vector_load %arg5[%get3A_289] {strides = array<i32>} : memref<368xi32, #tpu.memory_space<vmem>>, vector<16xi32>,
    %shift_right_arithmetic3A_291 = arith.constant 7 : i32
    %shift_right_arithmetic3A_292 = vector.broadcast %shift_right_arithmetic3A_291 : i32 to vector<16xi32>
    %shift_right_arithmetic3A_293 = arith.shrsi %get3A_290, %shift_right_arithmetic3A_292 : vector<16xi32>
    %mul3A_294 = arith.constant 1024 : i32
    %mul3A_295 = vector.broadcast %mul3A_294 : i32 to vector<16xi32>
    %mul3A_296 = arith.muli %shift_right_arithmetic3A_293, %mul3A_295 : vector<16xi32>
    %and3A_297 = arith.constant 127 : i32
    %and3A_298 = vector.broadcast %and3A_297 : i32 to vector<16xi32>
    %and3A_299 = arith.andi %get3A_290, %and3A_298 : vector<16xi32>
    %add3A_300 = arith.addi %mul3A_296, %and3A_299 : vector<16xi32>
    %swap3A_301 = arith.constant 240 : index
    %swap3A_302 = tpu.vector_load %arg6[%swap3A_301] {strides = array<i32>} : memref<368xi32, #tpu.memory_space<vmem>>, vector<16xi32>,
    tpu.vector_store %arg6[%swap3A_301], %add3A_300 {strides = array<i32>} : memref<368xi32, #tpu.memory_space<vmem>>, vector<16xi32>,
    %add3A_303 = arith.constant 240 : i32
    %add3A_304 = vector.broadcast %add3A_303 : i32 to vector<16xi32>
    %add3A_305 = arith.addi %iota3A, %add3A_304 : vector<16xi32>
    %swap3A_306 = arith.constant 240 : index
    %swap3A_307 = tpu.vector_load %arg7[%swap3A_306] {strides = array<i32>} : memref<368xi32, #tpu.memory_space<vmem>>, vector<16xi32>,
    tpu.vector_store %arg7[%swap3A_306], %add3A_305 {strides = array<i32>} : memref<368xi32, #tpu.memory_space<vmem>>, vector<16xi32>,
    %get3A_308 = arith.constant 256 : index
    %get3A_309 = tpu.vector_load %arg5[%get3A_308] {strides = array<i32>} : memref<368xi32, #tpu.memory_space<vmem>>, vector<16xi32>,
    %shift_right_arithmetic3A_310 = arith.constant 7 : i32
    %shift_right_arithmetic3A_311 = vector.broadcast %shift_right_arithmetic3A_310 : i32 to vector<16xi32>
    %shift_right_arithmetic3A_312 = arith.shrsi %get3A_309, %shift_right_arithmetic3A_311 : vector<16xi32>
    %mul3A_313 = arith.constant 1024 : i32
    %mul3A_314 = vector.broadcast %mul3A_313 : i32 to vector<16xi32>
    %mul3A_315 = arith.muli %shift_right_arithmetic3A_312, %mul3A_314 : vector<16xi32>
    %and3A_316 = arith.constant 127 : i32
    %and3A_317 = vector.broadcast %and3A_316 : i32 to vector<16xi32>
    %and3A_318 = arith.andi %get3A_309, %and3A_317 : vector<16xi32>
    %add3A_319 = arith.addi %mul3A_315, %and3A_318 : vector<16xi32>
    %swap3A_320 = arith.constant 256 : index
    %swap3A_321 = tpu.vector_load %arg6[%swap3A_320] {strides = array<i32>} : memref<368xi32, #tpu.memory_space<vmem>>, vector<16xi32>,
    tpu.vector_store %arg6[%swap3A_320], %add3A_319 {strides = array<i32>} : memref<368xi32, #tpu.memory_space<vmem>>, vector<16xi32>,
    %add3A_322 = arith.constant 256 : i32
    %add3A_323 = vector.broadcast %add3A_322 : i32 to vector<16xi32>
    %add3A_324 = arith.addi %iota3A, %add3A_323 : vector<16xi32>
    %swap3A_325 = arith.constant 256 : index
    %swap3A_326 = tpu.vector_load %arg7[%swap3A_325] {strides = array<i32>} : memref<368xi32, #tpu.memory_space<vmem>>, vector<16xi32>,
    tpu.vector_store %arg7[%swap3A_325], %add3A_324 {strides = array<i32>} : memref<368xi32, #tpu.memory_space<vmem>>, vector<16xi32>,
    %get3A_327 = arith.constant 272 : index
    %get3A_328 = tpu.vector_load %arg5[%get3A_327] {strides = array<i32>} : memref<368xi32, #tpu.memory_space<vmem>>, vector<16xi32>,
    %shift_right_arithmetic3A_329 = arith.constant 7 : i32
    %shift_right_arithmetic3A_330 = vector.broadcast %shift_right_arithmetic3A_329 : i32 to vector<16xi32>
    %shift_right_arithmetic3A_331 = arith.shrsi %get3A_328, %shift_right_arithmetic3A_330 : vector<16xi32>
    %mul3A_332 = arith.constant 1024 : i32
    %mul3A_333 = vector.broadcast %mul3A_332 : i32 to vector<16xi32>
    %mul3A_334 = arith.muli %shift_right_arithmetic3A_331, %mul3A_333 : vector<16xi32>
    %and3A_335 = arith.constant 127 : i32
    %and3A_336 = vector.broadcast %and3A_335 : i32 to vector<16xi32>
    %and3A_337 = arith.andi %get3A_328, %and3A_336 : vector<16xi32>
    %add3A_338 = arith.addi %mul3A_334, %and3A_337 : vector<16xi32>
    %swap3A_339 = arith.constant 272 : index
    %swap3A_340 = tpu.vector_load %arg6[%swap3A_339] {strides = array<i32>} : memref<368xi32, #tpu.memory_space<vmem>>, vector<16xi32>,
    tpu.vector_store %arg6[%swap3A_339], %add3A_338 {strides = array<i32>} : memref<368xi32, #tpu.memory_space<vmem>>, vector<16xi32>,
    %add3A_341 = arith.constant 272 : i32
    %add3A_342 = vector.broadcast %add3A_341 : i32 to vector<16xi32>
    %add3A_343 = arith.addi %iota3A, %add3A_342 : vector<16xi32>
    %swap3A_344 = arith.constant 272 : index
    %swap3A_345 = tpu.vector_load %arg7[%swap3A_344] {strides = array<i32>} : memref<368xi32, #tpu.memory_space<vmem>>, vector<16xi32>,
    tpu.vector_store %arg7[%swap3A_344], %add3A_343 {strides = array<i32>} : memref<368xi32, #tpu.memory_space<vmem>>, vector<16xi32>,
    %get3A_346 = arith.constant 288 : index
    %get3A_347 = tpu.vector_load %arg5[%get3A_346] {strides = array<i32>} : memref<368xi32, #tpu.memory_space<vmem>>, vector<16xi32>,
    %shift_right_arithmetic3A_348 = arith.constant 7 : i32
    %shift_right_arithmetic3A_349 = vector.broadcast %shift_right_arithmetic3A_348 : i32 to vector<16xi32>
    %shift_right_arithmetic3A_350 = arith.shrsi %get3A_347, %shift_right_arithmetic3A_349 : vector<16xi32>
    %mul3A_351 = arith.constant 1024 : i32
    %mul3A_352 = vector.broadcast %mul3A_351 : i32 to vector<16xi32>
    %mul3A_353 = arith.muli %shift_right_arithmetic3A_350, %mul3A_352 : vector<16xi32>
    %and3A_354 = arith.constant 127 : i32
    %and3A_355 = vector.broadcast %and3A_354 : i32 to vector<16xi32>
    %and3A_356 = arith.andi %get3A_347, %and3A_355 : vector<16xi32>
    %add3A_357 = arith.addi %mul3A_353, %and3A_356 : vector<16xi32>
    %swap3A_358 = arith.constant 288 : index
    %swap3A_359 = tpu.vector_load %arg6[%swap3A_358] {strides = array<i32>} : memref<368xi32, #tpu.memory_space<vmem>>, vector<16xi32>,
    tpu.vector_store %arg6[%swap3A_358], %add3A_357 {strides = array<i32>} : memref<368xi32, #tpu.memory_space<vmem>>, vector<16xi32>,
    %add3A_360 = arith.constant 288 : i32
    %add3A_361 = vector.broadcast %add3A_360 : i32 to vector<16xi32>
    %add3A_362 = arith.addi %iota3A, %add3A_361 : vector<16xi32>
    %swap3A_363 = arith.constant 288 : index
    %swap3A_364 = tpu.vector_load %arg7[%swap3A_363] {strides = array<i32>} : memref<368xi32, #tpu.memory_space<vmem>>, vector<16xi32>,
    tpu.vector_store %arg7[%swap3A_363], %add3A_362 {strides = array<i32>} : memref<368xi32, #tpu.memory_space<vmem>>, vector<16xi32>,
    %get3A_365 = arith.constant 304 : index
    %get3A_366 = tpu.vector_load %arg5[%get3A_365] {strides = array<i32>} : memref<368xi32, #tpu.memory_space<vmem>>, vector<16xi32>,
    %shift_right_arithmetic3A_367 = arith.constant 7 : i32
    %shift_right_arithmetic3A_368 = vector.broadcast %shift_right_arithmetic3A_367 : i32 to vector<16xi32>
    %shift_right_arithmetic3A_369 = arith.shrsi %get3A_366, %shift_right_arithmetic3A_368 : vector<16xi32>
    %mul3A_370 = arith.constant 1024 : i32
    %mul3A_371 = vector.broadcast %mul3A_370 : i32 to vector<16xi32>
    %mul3A_372 = arith.muli %shift_right_arithmetic3A_369, %mul3A_371 : vector<16xi32>
    %and3A_373 = arith.constant 127 : i32
    %and3A_374 = vector.broadcast %and3A_373 : i32 to vector<16xi32>
    %and3A_375 = arith.andi %get3A_366, %and3A_374 : vector<16xi32>
    %add3A_376 = arith.addi %mul3A_372, %and3A_375 : vector<16xi32>
    %swap3A_377 = arith.constant 304 : index
    %swap3A_378 = tpu.vector_load %arg6[%swap3A_377] {strides = array<i32>} : memref<368xi32, #tpu.memory_space<vmem>>, vector<16xi32>,
    tpu.vector_store %arg6[%swap3A_377], %add3A_376 {strides = array<i32>} : memref<368xi32, #tpu.memory_space<vmem>>, vector<16xi32>,
    %add3A_379 = arith.constant 304 : i32
    %add3A_380 = vector.broadcast %add3A_379 : i32 to vector<16xi32>
    %add3A_381 = arith.addi %iota3A, %add3A_380 : vector<16xi32>
    %swap3A_382 = arith.constant 304 : index
    %swap3A_383 = tpu.vector_load %arg7[%swap3A_382] {strides = array<i32>} : memref<368xi32, #tpu.memory_space<vmem>>, vector<16xi32>,
    tpu.vector_store %arg7[%swap3A_382], %add3A_381 {strides = array<i32>} : memref<368xi32, #tpu.memory_space<vmem>>, vector<16xi32>,
    %get3A_384 = arith.constant 320 : index
    %get3A_385 = tpu.vector_load %arg5[%get3A_384] {strides = array<i32>} : memref<368xi32, #tpu.memory_space<vmem>>, vector<16xi32>,
    %shift_right_arithmetic3A_386 = arith.constant 7 : i32
    %shift_right_arithmetic3A_387 = vector.broadcast %shift_right_arithmetic3A_386 : i32 to vector<16xi32>
    %shift_right_arithmetic3A_388 = arith.shrsi %get3A_385, %shift_right_arithmetic3A_387 : vector<16xi32>
    %mul3A_389 = arith.constant 1024 : i32
    %mul3A_390 = vector.broadcast %mul3A_389 : i32 to vector<16xi32>
    %mul3A_391 = arith.muli %shift_right_arithmetic3A_388, %mul3A_390 : vector<16xi32>
    %and3A_392 = arith.constant 127 : i32
    %and3A_393 = vector.broadcast %and3A_392 : i32 to vector<16xi32>
    %and3A_394 = arith.andi %get3A_385, %and3A_393 : vector<16xi32>
    %add3A_395 = arith.addi %mul3A_391, %and3A_394 : vector<16xi32>
    %swap3A_396 = arith.constant 320 : index
    %swap3A_397 = tpu.vector_load %arg6[%swap3A_396] {strides = array<i32>} : memref<368xi32, #tpu.memory_space<vmem>>, vector<16xi32>,
    tpu.vector_store %arg6[%swap3A_396], %add3A_395 {strides = array<i32>} : memref<368xi32, #tpu.memory_space<vmem>>, vector<16xi32>,
    %add3A_398 = arith.constant 320 : i32
    %add3A_399 = vector.broadcast %add3A_398 : i32 to vector<16xi32>
    %add3A_400 = arith.addi %iota3A, %add3A_399 : vector<16xi32>
    %swap3A_401 = arith.constant 320 : index
    %swap3A_402 = tpu.vector_load %arg7[%swap3A_401] {strides = array<i32>} : memref<368xi32, #tpu.memory_space<vmem>>, vector<16xi32>,
    tpu.vector_store %arg7[%swap3A_401], %add3A_400 {strides = array<i32>} : memref<368xi32, #tpu.memory_space<vmem>>, vector<16xi32>,
    %get3A_403 = arith.constant 336 : index
    %get3A_404 = tpu.vector_load %arg5[%get3A_403] {strides = array<i32>} : memref<368xi32, #tpu.memory_space<vmem>>, vector<16xi32>,
    %shift_right_arithmetic3A_405 = arith.constant 7 : i32
    %shift_right_arithmetic3A_406 = vector.broadcast %shift_right_arithmetic3A_405 : i32 to vector<16xi32>
    %shift_right_arithmetic3A_407 = arith.shrsi %get3A_404, %shift_right_arithmetic3A_406 : vector<16xi32>
    %mul3A_408 = arith.constant 1024 : i32
    %mul3A_409 = vector.broadcast %mul3A_408 : i32 to vector<16xi32>
    %mul3A_410 = arith.muli %shift_right_arithmetic3A_407, %mul3A_409 : vector<16xi32>
    %and3A_411 = arith.constant 127 : i32
    %and3A_412 = vector.broadcast %and3A_411 : i32 to vector<16xi32>
    %and3A_413 = arith.andi %get3A_404, %and3A_412 : vector<16xi32>
    %add3A_414 = arith.addi %mul3A_410, %and3A_413 : vector<16xi32>
    %swap3A_415 = arith.constant 336 : index
    %swap3A_416 = tpu.vector_load %arg6[%swap3A_415] {strides = array<i32>} : memref<368xi32, #tpu.memory_space<vmem>>, vector<16xi32>,
    tpu.vector_store %arg6[%swap3A_415], %add3A_414 {strides = array<i32>} : memref<368xi32, #tpu.memory_space<vmem>>, vector<16xi32>,
    %add3A_417 = arith.constant 336 : i32
    %add3A_418 = vector.broadcast %add3A_417 : i32 to vector<16xi32>
    %add3A_419 = arith.addi %iota3A, %add3A_418 : vector<16xi32>
    %swap3A_420 = arith.constant 336 : index
    %swap3A_421 = tpu.vector_load %arg7[%swap3A_420] {strides = array<i32>} : memref<368xi32, #tpu.memory_space<vmem>>, vector<16xi32>,
    tpu.vector_store %arg7[%swap3A_420], %add3A_419 {strides = array<i32>} : memref<368xi32, #tpu.memory_space<vmem>>, vector<16xi32>,
    %get3A_422 = arith.constant 352 : index
    %get3A_423 = tpu.vector_load %arg5[%get3A_422] {strides = array<i32>} : memref<368xi32, #tpu.memory_space<vmem>>, vector<16xi32>,
    %shift_right_arithmetic3A_424 = arith.constant 7 : i32
    %shift_right_arithmetic3A_425 = vector.broadcast %shift_right_arithmetic3A_424 : i32 to vector<16xi32>
    %shift_right_arithmetic3A_426 = arith.shrsi %get3A_423, %shift_right_arithmetic3A_425 : vector<16xi32>
    %mul3A_427 = arith.constant 1024 : i32
    %mul3A_428 = vector.broadcast %mul3A_427 : i32 to vector<16xi32>
    %mul3A_429 = arith.muli %shift_right_arithmetic3A_426, %mul3A_428 : vector<16xi32>
    %and3A_430 = arith.constant 127 : i32
    %and3A_431 = vector.broadcast %and3A_430 : i32 to vector<16xi32>
    %and3A_432 = arith.andi %get3A_423, %and3A_431 : vector<16xi32>
    %add3A_433 = arith.addi %mul3A_429, %and3A_432 : vector<16xi32>
    %swap3A_434 = arith.constant 352 : index
    %swap3A_435 = tpu.vector_load %arg6[%swap3A_434] {strides = array<i32>} : memref<368xi32, #tpu.memory_space<vmem>>, vector<16xi32>,
    tpu.vector_store %arg6[%swap3A_434], %add3A_433 {strides = array<i32>} : memref<368xi32, #tpu.memory_space<vmem>>, vector<16xi32>,
    %add3A_436 = arith.constant 342 : i32
    %add3A_437 = vector.broadcast %add3A_436 : i32 to vector<16xi32>
    %add3A_438 = arith.addi %iota3A, %add3A_437 : vector<16xi32>
    %swap3A_439 = arith.constant 352 : index
    %swap3A_440 = tpu.vector_load %arg7[%swap3A_439] {strides = array<i32>} : memref<368xi32, #tpu.memory_space<vmem>>, vector<16xi32>,
    tpu.vector_store %arg7[%swap3A_439], %add3A_438 {strides = array<i32>} : memref<368xi32, #tpu.memory_space<vmem>>, vector<16xi32>,
    %scan3A = arith.constant 0 : i32
    %scan3A_441 = arith.constant 0 : i32
    %scan3A_442 = arith.constant 2 : i32
    %scan3A_443 = arith.addi %scan3A_441, %scan3A_442 : i32
    %scan3A_444 = arith.constant 1 : i32
    %scan3A_445 = scf.for %scan3A_458 = %scan3A_441 to %scan3A_443 step %scan3A_444 iter_args(%scan3A_459 = %scan3A) -> (i32)  : i32 {
      %mul3A_460 = arith.constant 2 : i32
      %mul3A_461 = arith.muli %mul3A_460, %scan3A_458 : i32
      %add3A_462 = arith.constant 0 : i32
      %add3A_463 = arith.addi %mul3A_461, %add3A_462 : i32
      %mul3A_464 = arith.constant 4 : i32
      %mul3A_465 = arith.muli %add3A_463, %mul3A_464 : i32
      %add3A_466 = arith.constant 0 : i32
      %add3A_467 = arith.addi %mul3A_465, %add3A_466 : i32
      %dma_wait3A_468 = arith.constant 0 : i32
      %dma_wait3A_469 = tpu.memref_slice %arg2[%dma_wait3A_468] : memref<8388608xf32, #tpu.memory_space<hbm>> -> memref<16384xf32, #tpu.memory_space<hbm>>
      %dma_wait3A_470 = arith.constant 0 : i32
      %dma_wait3A_471 = tpu.memref_slice %arg2[%dma_wait3A_470] : memref<8388608xf32, #tpu.memory_space<hbm>> -> memref<16384xf32, #tpu.memory_space<hbm>>
      tpu.wait_dma2 semaphore(%arg12 : memref<!tpu.dma_semaphore, #tpu.memory_space<semaphore_mem>>) src(%dma_wait3A_471 : memref<16384xf32, #tpu.memory_space<hbm>>) dst(%arg8 : memref<16384xf32, #tpu.memory_space<vmem>>)
      %add3A_472 = arith.constant 1 : i32
      %add3A_473 = arith.addi %add3A_467, %add3A_472 : i32
      %lt3A = arith.constant 16 : i32
      %lt3A_474 = arith.cmpi slt, %add3A_473, %lt3A : i32
      %convert_element_type3A = arith.extui %lt3A_474 : i1 to i32
      %cond3A = arith.constant 0 : i32
      %cond3A_475 = arith.cmpi ne, %convert_element_type3A, %cond3A : i32
      scf.if %cond3A_475 {
        %add3A_632 = arith.constant 1 : i32
        %add3A_633 = arith.addi %add3A_467, %add3A_632 : i32
        %mul3A_634 = arith.constant 32 : i32
        %mul3A_635 = arith.muli %add3A_633, %mul3A_634 : i32
        %add3A_636 = arith.addi %mul3A_2, %mul3A_635 : i32
        %mul3A_637 = arith.constant 512 : i32
        %mul3A_638 = arith.muli %add3A_636, %mul3A_637 : i32
        %dma_start3A_639 = tpu.memref_slice %arg2[%mul3A_638] : memref<8388608xf32, #tpu.memory_space<hbm>> -> memref<16384xf32, #tpu.memory_space<hbm>>
        %dma_start3A_640 = tpu.memref_slice %arg2[%mul3A_638] : memref<8388608xf32, #tpu.memory_space<hbm>> -> memref<16384xf32, #tpu.memory_space<hbm>>
        tpu.enqueue_dma source(%dma_start3A_640 : memref<16384xf32, #tpu.memory_space<hbm>>) target(%arg9 : memref<16384xf32, #tpu.memory_space<vmem>>) target_semaphore(%arg13 : memref<!tpu.dma_semaphore, #tpu.memory_space<semaphore_mem>>)
      } else {
      }
      %ge3A = arith.constant 2 : i32
      %ge3A_476 = arith.cmpi sge, %add3A_463, %ge3A : i32
      %convert_element_type3A_477 = arith.extui %ge3A_476 : i1 to i32
      %cond3A_478 = arith.constant 0 : i32
      %cond3A_479 = arith.cmpi ne, %convert_element_type3A_477, %cond3A_478 : i32
      scf.if %cond3A_479 {
        %dma_wait3A_632 = arith.constant 0 : i32
        %dma_wait3A_633 = arith.constant 0 : i32
        %dma_wait3A_634 = tpu.memref_slice %arg4[%dma_wait3A_632, %dma_wait3A_633] : memref<358x16384xf32, #tpu.memory_space<hbm>> -> memref<358x128xf32, #tpu.memory_space<hbm>>
        %dma_wait3A_635 = arith.constant 0 : i32
        %dma_wait3A_636 = arith.constant 0 : i32
        %dma_wait3A_637 = tpu.memref_slice %arg4[%dma_wait3A_635, %dma_wait3A_636] : memref<358x16384xf32, #tpu.memory_space<hbm>> -> memref<358x128xf32, #tpu.memory_space<hbm>>
        tpu.wait_dma2 semaphore(%arg14 : memref<!tpu.dma_semaphore, #tpu.memory_space<semaphore_mem>>) src(%arg10 : memref<358x128xf32, #tpu.memory_space<vmem>>) dst(%dma_wait3A_637 : memref<358x128xf32, #tpu.memory_space<hbm>>)
      } else {
      }
      %parallel_loop3A = arith.constant 0 : i32
      %parallel_loop3A_480 = arith.constant 23 : i32
      %parallel_loop3A_481 = arith.constant 1 : i32
      scf.for %parallel_loop3A_632 = %parallel_loop3A to %parallel_loop3A_480 step %parallel_loop3A_481  : i32 {
        %parallel_loop3A_633 = arith.constant 16 : i32
        %parallel_loop3A_634 = arith.muli %parallel_loop3A_632, %parallel_loop3A_633 : i32
        %parallel_loop3A_635 = tpu.assume_multiple %parallel_loop3A_634, 16 : i32
        %parallel_loop3A_636 = arith.index_cast %parallel_loop3A_635 : i32 to index
        %parallel_loop3A_637 = tpu.vector_load %arg6[%parallel_loop3A_636] {strides = array<i32>} : memref<368xi32, #tpu.memory_space<vmem>>, vector<16xi32>,
        %parallel_loop3A_638 = arith.index_cast %parallel_loop3A_635 : i32 to index
        %parallel_loop3A_639 = tpu.vector_load %arg7[%parallel_loop3A_638] {strides = array<i32>} : memref<368xi32, #tpu.memory_space<vmem>>, vector<16xi32>,
        %parallel_loop3A_640 = arith.constant 0 : i32
        %parallel_loop3A_641 = arith.constant 16 : i32
        %parallel_loop3A_642 = arith.constant 1 : i32
        scf.for %parallel_loop3A_643 = %parallel_loop3A_640 to %parallel_loop3A_641 step %parallel_loop3A_642  : i32 {
          %parallel_loop3A_644 = vector.broadcast %parallel_loop3A_643 : i32 to vector<16xi32>
          %parallel_loop3A_645 = arith.addi %iota3A, %parallel_loop3A_644 : vector<16xi32>
          %parallel_loop3A_646 = arith.constant 15 : i32
          %parallel_loop3A_647 = vector.broadcast %parallel_loop3A_646 : i32 to vector<16xi32>
          %parallel_loop3A_648 = arith.andi %parallel_loop3A_645, %parallel_loop3A_647 : vector<16xi32>
          %parallel_loop3A_649 = arith.constant 3 : i32
          %parallel_loop3A_650 = vector.broadcast %parallel_loop3A_649 : i32 to vector<16xi32>
          %parallel_loop3A_651 = arith.shrsi %parallel_loop3A_648, %parallel_loop3A_650 : vector<16xi32>
          %parallel_loop3A_652 = arith.constant 12 : i32
          %parallel_loop3A_653 = vector.broadcast %parallel_loop3A_652 : i32 to vector<16xi32>
          %parallel_loop3A_654 = arith.shli %parallel_loop3A_651, %parallel_loop3A_653 : vector<16xi32>
          %parallel_loop3A_655 = arith.constant 7 : i32
          %parallel_loop3A_656 = vector.broadcast %parallel_loop3A_655 : i32 to vector<16xi32>
          %parallel_loop3A_657 = arith.andi %parallel_loop3A_648, %parallel_loop3A_656 : vector<16xi32>
          %parallel_loop3A_658 = arith.constant 7 : i32
          %parallel_loop3A_659 = vector.broadcast %parallel_loop3A_658 : i32 to vector<16xi32>
          %parallel_loop3A_660 = arith.shli %parallel_loop3A_657, %parallel_loop3A_659 : vector<16xi32>
          %parallel_loop3A_661 = arith.addi %parallel_loop3A_654, %parallel_loop3A_660 : vector<16xi32>
          %parallel_loop3A_662 = arith.addi %parallel_loop3A_637, %parallel_loop3A_661 : vector<16xi32>
          %parallel_loop3A_663 = arith.constant 0 : i32
          %parallel_loop3A_664 = vector.broadcast %parallel_loop3A_663 : i32 to vector<16xi32>
          %parallel_loop3A_665 = arith.addi %parallel_loop3A_648, %parallel_loop3A_664 : vector<16xi32>
          %parallel_loop3A_666 = arith.constant 0 : i32
          %parallel_loop3A_667 = vector.broadcast %parallel_loop3A_666 : i32 to vector<16xi32>
          %parallel_loop3A_668 = arith.addi %parallel_loop3A_662, %parallel_loop3A_667 : vector<16xi32>
          %parallel_loop3A_669 = tpu.vector_load_idx %arg8[%parallel_loop3A_668] : memref<16384xf32, #tpu.memory_space<vmem>>[vector<16xi32>], vector<16xf32>,
          %parallel_loop3A_670 = arith.constant 0 : i32
          %parallel_loop3A_671 = vector.broadcast %parallel_loop3A_670 : i32 to vector<16xi32>
          %parallel_loop3A_672 = arith.addi %parallel_loop3A_665, %parallel_loop3A_671 : vector<16xi32>
          tpu.vector_store_idx %arg10[%parallel_loop3A_639, %parallel_loop3A_672], %parallel_loop3A_669 : memref<358x128xf32, #tpu.memory_space<vmem>>[vector<16xi32>, vector<16xi32>], vector<16xf32>,
          %parallel_loop3A_673 = arith.constant 8192 : i32
          %parallel_loop3A_674 = vector.broadcast %parallel_loop3A_673 : i32 to vector<16xi32>
          %parallel_loop3A_675 = arith.addi %parallel_loop3A_662, %parallel_loop3A_674 : vector<16xi32>
          %parallel_loop3A_676 = tpu.vector_load_idx %arg8[%parallel_loop3A_675] : memref<16384xf32, #tpu.memory_space<vmem>>[vector<16xi32>], vector<16xf32>,
          %parallel_loop3A_677 = arith.constant 16 : i32
          %parallel_loop3A_678 = vector.broadcast %parallel_loop3A_677 : i32 to vector<16xi32>
          %parallel_loop3A_679 = arith.addi %parallel_loop3A_665, %parallel_loop3A_678 : vector<16xi32>
          tpu.vector_store_idx %arg10[%parallel_loop3A_639, %parallel_loop3A_679], %parallel_loop3A_676 : memref<358x128xf32, #tpu.memory_space<vmem>>[vector<16xi32>, vector<16xi32>], vector<16xf32>,
        } {sc.loop_unroll_factor = 2 : i64, sc.parallel_access}
      } {sc.loop_unroll_factor = 1 : i64, sc.parallel_access}
      %mul3A_482 = arith.constant 4 : i32
      %mul3A_483 = arith.muli %add3A_463, %mul3A_482 : i32
      %add3A_484 = arith.constant 1 : i32
      %add3A_485 = arith.addi %mul3A_483, %add3A_484 : i32
      %dma_wait3A_486 = arith.constant 0 : i32
      %dma_wait3A_487 = tpu.memref_slice %arg2[%dma_wait3A_486] : memref<8388608xf32, #tpu.memory_space<hbm>> -> memref<16384xf32, #tpu.memory_space<hbm>>
      %dma_wait3A_488 = arith.constant 0 : i32
      %dma_wait3A_489 = tpu.memref_slice %arg2[%dma_wait3A_488] : memref<8388608xf32, #tpu.memory_space<hbm>> -> memref<16384xf32, #tpu.memory_space<hbm>>
      tpu.wait_dma2 semaphore(%arg13 : memref<!tpu.dma_semaphore, #tpu.memory_space<semaphore_mem>>) src(%dma_wait3A_489 : memref<16384xf32, #tpu.memory_space<hbm>>) dst(%arg9 : memref<16384xf32, #tpu.memory_space<vmem>>)
      %add3A_490 = arith.constant 1 : i32
      %add3A_491 = arith.addi %add3A_485, %add3A_490 : i32
      %lt3A_492 = arith.constant 16 : i32
      %lt3A_493 = arith.cmpi slt, %add3A_491, %lt3A_492 : i32
      %convert_element_type3A_494 = arith.extui %lt3A_493 : i1 to i32
      %cond3A_495 = arith.constant 0 : i32
      %cond3A_496 = arith.cmpi ne, %convert_element_type3A_494, %cond3A_495 : i32
      scf.if %cond3A_496 {
        %add3A_632 = arith.constant 1 : i32
        %add3A_633 = arith.addi %add3A_485, %add3A_632 : i32
        %mul3A_634 = arith.constant 32 : i32
        %mul3A_635 = arith.muli %add3A_633, %mul3A_634 : i32
        %add3A_636 = arith.addi %mul3A_2, %mul3A_635 : i32
        %mul3A_637 = arith.constant 512 : i32
        %mul3A_638 = arith.muli %add3A_636, %mul3A_637 : i32
        %dma_start3A_639 = tpu.memref_slice %arg2[%mul3A_638] : memref<8388608xf32, #tpu.memory_space<hbm>> -> memref<16384xf32, #tpu.memory_space<hbm>>
        %dma_start3A_640 = tpu.memref_slice %arg2[%mul3A_638] : memref<8388608xf32, #tpu.memory_space<hbm>> -> memref<16384xf32, #tpu.memory_space<hbm>>
        tpu.enqueue_dma source(%dma_start3A_640 : memref<16384xf32, #tpu.memory_space<hbm>>) target(%arg8 : memref<16384xf32, #tpu.memory_space<vmem>>) target_semaphore(%arg12 : memref<!tpu.dma_semaphore, #tpu.memory_space<semaphore_mem>>)
      } else {
      }
      %parallel_loop3A_497 = arith.constant 0 : i32
      %parallel_loop3A_498 = arith.constant 23 : i32
      %parallel_loop3A_499 = arith.constant 1 : i32
      scf.for %parallel_loop3A_632 = %parallel_loop3A_497 to %parallel_loop3A_498 step %parallel_loop3A_499  : i32 {
        %parallel_loop3A_633 = arith.constant 16 : i32
        %parallel_loop3A_634 = arith.muli %parallel_loop3A_632, %parallel_loop3A_633 : i32
        %parallel_loop3A_635 = tpu.assume_multiple %parallel_loop3A_634, 16 : i32
        %parallel_loop3A_636 = arith.index_cast %parallel_loop3A_635 : i32 to index
        %parallel_loop3A_637 = tpu.vector_load %arg6[%parallel_loop3A_636] {strides = array<i32>} : memref<368xi32, #tpu.memory_space<vmem>>, vector<16xi32>,
        %parallel_loop3A_638 = arith.index_cast %parallel_loop3A_635 : i32 to index
        %parallel_loop3A_639 = tpu.vector_load %arg7[%parallel_loop3A_638] {strides = array<i32>} : memref<368xi32, #tpu.memory_space<vmem>>, vector<16xi32>,
        %parallel_loop3A_640 = arith.constant 0 : i32
        %parallel_loop3A_641 = arith.constant 16 : i32
        %parallel_loop3A_642 = arith.constant 1 : i32
        scf.for %parallel_loop3A_643 = %parallel_loop3A_640 to %parallel_loop3A_641 step %parallel_loop3A_642  : i32 {
          %parallel_loop3A_644 = vector.broadcast %parallel_loop3A_643 : i32 to vector<16xi32>
          %parallel_loop3A_645 = arith.addi %iota3A, %parallel_loop3A_644 : vector<16xi32>
          %parallel_loop3A_646 = arith.constant 15 : i32
          %parallel_loop3A_647 = vector.broadcast %parallel_loop3A_646 : i32 to vector<16xi32>
          %parallel_loop3A_648 = arith.andi %parallel_loop3A_645, %parallel_loop3A_647 : vector<16xi32>
          %parallel_loop3A_649 = arith.constant 3 : i32
          %parallel_loop3A_650 = vector.broadcast %parallel_loop3A_649 : i32 to vector<16xi32>
          %parallel_loop3A_651 = arith.shrsi %parallel_loop3A_648, %parallel_loop3A_650 : vector<16xi32>
          %parallel_loop3A_652 = arith.constant 12 : i32
          %parallel_loop3A_653 = vector.broadcast %parallel_loop3A_652 : i32 to vector<16xi32>
          %parallel_loop3A_654 = arith.shli %parallel_loop3A_651, %parallel_loop3A_653 : vector<16xi32>
          %parallel_loop3A_655 = arith.constant 7 : i32
          %parallel_loop3A_656 = vector.broadcast %parallel_loop3A_655 : i32 to vector<16xi32>
          %parallel_loop3A_657 = arith.andi %parallel_loop3A_648, %parallel_loop3A_656 : vector<16xi32>
          %parallel_loop3A_658 = arith.constant 7 : i32
          %parallel_loop3A_659 = vector.broadcast %parallel_loop3A_658 : i32 to vector<16xi32>
          %parallel_loop3A_660 = arith.shli %parallel_loop3A_657, %parallel_loop3A_659 : vector<16xi32>
          %parallel_loop3A_661 = arith.addi %parallel_loop3A_654, %parallel_loop3A_660 : vector<16xi32>
          %parallel_loop3A_662 = arith.addi %parallel_loop3A_637, %parallel_loop3A_661 : vector<16xi32>
          %parallel_loop3A_663 = arith.constant 32 : i32
          %parallel_loop3A_664 = vector.broadcast %parallel_loop3A_663 : i32 to vector<16xi32>
          %parallel_loop3A_665 = arith.addi %parallel_loop3A_648, %parallel_loop3A_664 : vector<16xi32>
          %parallel_loop3A_666 = arith.constant 0 : i32
          %parallel_loop3A_667 = vector.broadcast %parallel_loop3A_666 : i32 to vector<16xi32>
          %parallel_loop3A_668 = arith.addi %parallel_loop3A_662, %parallel_loop3A_667 : vector<16xi32>
          %parallel_loop3A_669 = tpu.vector_load_idx %arg9[%parallel_loop3A_668] : memref<16384xf32, #tpu.memory_space<vmem>>[vector<16xi32>], vector<16xf32>,
          %parallel_loop3A_670 = arith.constant 0 : i32
          %parallel_loop3A_671 = vector.broadcast %parallel_loop3A_670 : i32 to vector<16xi32>
          %parallel_loop3A_672 = arith.addi %parallel_loop3A_665, %parallel_loop3A_671 : vector<16xi32>
          tpu.vector_store_idx %arg10[%parallel_loop3A_639, %parallel_loop3A_672], %parallel_loop3A_669 : memref<358x128xf32, #tpu.memory_space<vmem>>[vector<16xi32>, vector<16xi32>], vector<16xf32>,
          %parallel_loop3A_673 = arith.constant 8192 : i32
          %parallel_loop3A_674 = vector.broadcast %parallel_loop3A_673 : i32 to vector<16xi32>
          %parallel_loop3A_675 = arith.addi %parallel_loop3A_662, %parallel_loop3A_674 : vector<16xi32>
          %parallel_loop3A_676 = tpu.vector_load_idx %arg9[%parallel_loop3A_675] : memref<16384xf32, #tpu.memory_space<vmem>>[vector<16xi32>], vector<16xf32>,
          %parallel_loop3A_677 = arith.constant 16 : i32
          %parallel_loop3A_678 = vector.broadcast %parallel_loop3A_677 : i32 to vector<16xi32>
          %parallel_loop3A_679 = arith.addi %parallel_loop3A_665, %parallel_loop3A_678 : vector<16xi32>
          tpu.vector_store_idx %arg10[%parallel_loop3A_639, %parallel_loop3A_679], %parallel_loop3A_676 : memref<358x128xf32, #tpu.memory_space<vmem>>[vector<16xi32>, vector<16xi32>], vector<16xf32>,
        } {sc.loop_unroll_factor = 2 : i64, sc.parallel_access}
      } {sc.loop_unroll_factor = 1 : i64, sc.parallel_access}
      %mul3A_500 = arith.constant 4 : i32
      %mul3A_501 = arith.muli %add3A_463, %mul3A_500 : i32
      %add3A_502 = arith.constant 2 : i32
      %add3A_503 = arith.addi %mul3A_501, %add3A_502 : i32
      %dma_wait3A_504 = arith.constant 0 : i32
      %dma_wait3A_505 = tpu.memref_slice %arg2[%dma_wait3A_504] : memref<8388608xf32, #tpu.memory_space<hbm>> -> memref<16384xf32, #tpu.memory_space<hbm>>
      %dma_wait3A_506 = arith.constant 0 : i32
      %dma_wait3A_507 = tpu.memref_slice %arg2[%dma_wait3A_506] : memref<8388608xf32, #tpu.memory_space<hbm>> -> memref<16384xf32, #tpu.memory_space<hbm>>
      tpu.wait_dma2 semaphore(%arg12 : memref<!tpu.dma_semaphore, #tpu.memory_space<semaphore_mem>>) src(%dma_wait3A_507 : memref<16384xf32, #tpu.memory_space<hbm>>) dst(%arg8 : memref<16384xf32, #tpu.memory_space<vmem>>)
      %add3A_508 = arith.constant 1 : i32
      %add3A_509 = arith.addi %add3A_503, %add3A_508 : i32
      %lt3A_510 = arith.constant 16 : i32
      %lt3A_511 = arith.cmpi slt, %add3A_509, %lt3A_510 : i32
      %convert_element_type3A_512 = arith.extui %lt3A_511 : i1 to i32
      %cond3A_513 = arith.constant 0 : i32
      %cond3A_514 = arith.cmpi ne, %convert_element_type3A_512, %cond3A_513 : i32
      scf.if %cond3A_514 {
        %add3A_632 = arith.constant 1 : i32
        %add3A_633 = arith.addi %add3A_503, %add3A_632 : i32
        %mul3A_634 = arith.constant 32 : i32
        %mul3A_635 = arith.muli %add3A_633, %mul3A_634 : i32
        %add3A_636 = arith.addi %mul3A_2, %mul3A_635 : i32
        %mul3A_637 = arith.constant 512 : i32
        %mul3A_638 = arith.muli %add3A_636, %mul3A_637 : i32
        %dma_start3A_639 = tpu.memref_slice %arg2[%mul3A_638] : memref<8388608xf32, #tpu.memory_space<hbm>> -> memref<16384xf32, #tpu.memory_space<hbm>>
        %dma_start3A_640 = tpu.memref_slice %arg2[%mul3A_638] : memref<8388608xf32, #tpu.memory_space<hbm>> -> memref<16384xf32, #tpu.memory_space<hbm>>
        tpu.enqueue_dma source(%dma_start3A_640 : memref<16384xf32, #tpu.memory_space<hbm>>) target(%arg9 : memref<16384xf32, #tpu.memory_space<vmem>>) target_semaphore(%arg13 : memref<!tpu.dma_semaphore, #tpu.memory_space<semaphore_mem>>)
      } else {
      }
      %parallel_loop3A_515 = arith.constant 0 : i32
      %parallel_loop3A_516 = arith.constant 23 : i32
      %parallel_loop3A_517 = arith.constant 1 : i32
      scf.for %parallel_loop3A_632 = %parallel_loop3A_515 to %parallel_loop3A_516 step %parallel_loop3A_517  : i32 {
        %parallel_loop3A_633 = arith.constant 16 : i32
        %parallel_loop3A_634 = arith.muli %parallel_loop3A_632, %parallel_loop3A_633 : i32
        %parallel_loop3A_635 = tpu.assume_multiple %parallel_loop3A_634, 16 : i32
        %parallel_loop3A_636 = arith.index_cast %parallel_loop3A_635 : i32 to index
        %parallel_loop3A_637 = tpu.vector_load %arg6[%parallel_loop3A_636] {strides = array<i32>} : memref<368xi32, #tpu.memory_space<vmem>>, vector<16xi32>,
        %parallel_loop3A_638 = arith.index_cast %parallel_loop3A_635 : i32 to index
        %parallel_loop3A_639 = tpu.vector_load %arg7[%parallel_loop3A_638] {strides = array<i32>} : memref<368xi32, #tpu.memory_space<vmem>>, vector<16xi32>,
        %parallel_loop3A_640 = arith.constant 0 : i32
        %parallel_loop3A_641 = arith.constant 16 : i32
        %parallel_loop3A_642 = arith.constant 1 : i32
        scf.for %parallel_loop3A_643 = %parallel_loop3A_640 to %parallel_loop3A_641 step %parallel_loop3A_642  : i32 {
          %parallel_loop3A_644 = vector.broadcast %parallel_loop3A_643 : i32 to vector<16xi32>
          %parallel_loop3A_645 = arith.addi %iota3A, %parallel_loop3A_644 : vector<16xi32>
          %parallel_loop3A_646 = arith.constant 15 : i32
          %parallel_loop3A_647 = vector.broadcast %parallel_loop3A_646 : i32 to vector<16xi32>
          %parallel_loop3A_648 = arith.andi %parallel_loop3A_645, %parallel_loop3A_647 : vector<16xi32>
          %parallel_loop3A_649 = arith.constant 3 : i32
          %parallel_loop3A_650 = vector.broadcast %parallel_loop3A_649 : i32 to vector<16xi32>
          %parallel_loop3A_651 = arith.shrsi %parallel_loop3A_648, %parallel_loop3A_650 : vector<16xi32>
          %parallel_loop3A_652 = arith.constant 12 : i32
          %parallel_loop3A_653 = vector.broadcast %parallel_loop3A_652 : i32 to vector<16xi32>
          %parallel_loop3A_654 = arith.shli %parallel_loop3A_651, %parallel_loop3A_653 : vector<16xi32>
          %parallel_loop3A_655 = arith.constant 7 : i32
          %parallel_loop3A_656 = vector.broadcast %parallel_loop3A_655 : i32 to vector<16xi32>
          %parallel_loop3A_657 = arith.andi %parallel_loop3A_648, %parallel_loop3A_656 : vector<16xi32>
          %parallel_loop3A_658 = arith.constant 7 : i32
          %parallel_loop3A_659 = vector.broadcast %parallel_loop3A_658 : i32 to vector<16xi32>
          %parallel_loop3A_660 = arith.shli %parallel_loop3A_657, %parallel_loop3A_659 : vector<16xi32>
          %parallel_loop3A_661 = arith.addi %parallel_loop3A_654, %parallel_loop3A_660 : vector<16xi32>
          %parallel_loop3A_662 = arith.addi %parallel_loop3A_637, %parallel_loop3A_661 : vector<16xi32>
          %parallel_loop3A_663 = arith.constant 64 : i32
          %parallel_loop3A_664 = vector.broadcast %parallel_loop3A_663 : i32 to vector<16xi32>
          %parallel_loop3A_665 = arith.addi %parallel_loop3A_648, %parallel_loop3A_664 : vector<16xi32>
          %parallel_loop3A_666 = arith.constant 0 : i32
          %parallel_loop3A_667 = vector.broadcast %parallel_loop3A_666 : i32 to vector<16xi32>
          %parallel_loop3A_668 = arith.addi %parallel_loop3A_662, %parallel_loop3A_667 : vector<16xi32>
          %parallel_loop3A_669 = tpu.vector_load_idx %arg8[%parallel_loop3A_668] : memref<16384xf32, #tpu.memory_space<vmem>>[vector<16xi32>], vector<16xf32>,
          %parallel_loop3A_670 = arith.constant 0 : i32
          %parallel_loop3A_671 = vector.broadcast %parallel_loop3A_670 : i32 to vector<16xi32>
          %parallel_loop3A_672 = arith.addi %parallel_loop3A_665, %parallel_loop3A_671 : vector<16xi32>
          tpu.vector_store_idx %arg10[%parallel_loop3A_639, %parallel_loop3A_672], %parallel_loop3A_669 : memref<358x128xf32, #tpu.memory_space<vmem>>[vector<16xi32>, vector<16xi32>], vector<16xf32>,
          %parallel_loop3A_673 = arith.constant 8192 : i32
          %parallel_loop3A_674 = vector.broadcast %parallel_loop3A_673 : i32 to vector<16xi32>
          %parallel_loop3A_675 = arith.addi %parallel_loop3A_662, %parallel_loop3A_674 : vector<16xi32>
          %parallel_loop3A_676 = tpu.vector_load_idx %arg8[%parallel_loop3A_675] : memref<16384xf32, #tpu.memory_space<vmem>>[vector<16xi32>], vector<16xf32>,
          %parallel_loop3A_677 = arith.constant 16 : i32
          %parallel_loop3A_678 = vector.broadcast %parallel_loop3A_677 : i32 to vector<16xi32>
          %parallel_loop3A_679 = arith.addi %parallel_loop3A_665, %parallel_loop3A_678 : vector<16xi32>
          tpu.vector_store_idx %arg10[%parallel_loop3A_639, %parallel_loop3A_679], %parallel_loop3A_676 : memref<358x128xf32, #tpu.memory_space<vmem>>[vector<16xi32>, vector<16xi32>], vector<16xf32>,
        } {sc.loop_unroll_factor = 2 : i64, sc.parallel_access}
      } {sc.loop_unroll_factor = 1 : i64, sc.parallel_access}
      %mul3A_518 = arith.constant 4 : i32
      %mul3A_519 = arith.muli %add3A_463, %mul3A_518 : i32
      %add3A_520 = arith.constant 3 : i32
      %add3A_521 = arith.addi %mul3A_519, %add3A_520 : i32
      %dma_wait3A_522 = arith.constant 0 : i32
      %dma_wait3A_523 = tpu.memref_slice %arg2[%dma_wait3A_522] : memref<8388608xf32, #tpu.memory_space<hbm>> -> memref<16384xf32, #tpu.memory_space<hbm>>
      %dma_wait3A_524 = arith.constant 0 : i32
      %dma_wait3A_525 = tpu.memref_slice %arg2[%dma_wait3A_524] : memref<8388608xf32, #tpu.memory_space<hbm>> -> memref<16384xf32, #tpu.memory_space<hbm>>
      tpu.wait_dma2 semaphore(%arg13 : memref<!tpu.dma_semaphore, #tpu.memory_space<semaphore_mem>>) src(%dma_wait3A_525 : memref<16384xf32, #tpu.memory_space<hbm>>) dst(%arg9 : memref<16384xf32, #tpu.memory_space<vmem>>)
      %add3A_526 = arith.constant 1 : i32
      %add3A_527 = arith.addi %add3A_521, %add3A_526 : i32
      %lt3A_528 = arith.constant 16 : i32
      %lt3A_529 = arith.cmpi slt, %add3A_527, %lt3A_528 : i32
      %convert_element_type3A_530 = arith.extui %lt3A_529 : i1 to i32
      %cond3A_531 = arith.constant 0 : i32
      %cond3A_532 = arith.cmpi ne, %convert_element_type3A_530, %cond3A_531 : i32
      scf.if %cond3A_532 {
        %add3A_632 = arith.constant 1 : i32
        %add3A_633 = arith.addi %add3A_521, %add3A_632 : i32
        %mul3A_634 = arith.constant 32 : i32
        %mul3A_635 = arith.muli %add3A_633, %mul3A_634 : i32
        %add3A_636 = arith.addi %mul3A_2, %mul3A_635 : i32
        %mul3A_637 = arith.constant 512 : i32
        %mul3A_638 = arith.muli %add3A_636, %mul3A_637 : i32
        %dma_start3A_639 = tpu.memref_slice %arg2[%mul3A_638] : memref<8388608xf32, #tpu.memory_space<hbm>> -> memref<16384xf32, #tpu.memory_space<hbm>>
        %dma_start3A_640 = tpu.memref_slice %arg2[%mul3A_638] : memref<8388608xf32, #tpu.memory_space<hbm>> -> memref<16384xf32, #tpu.memory_space<hbm>>
        tpu.enqueue_dma source(%dma_start3A_640 : memref<16384xf32, #tpu.memory_space<hbm>>) target(%arg8 : memref<16384xf32, #tpu.memory_space<vmem>>) target_semaphore(%arg12 : memref<!tpu.dma_semaphore, #tpu.memory_space<semaphore_mem>>)
      } else {
      }
      %parallel_loop3A_533 = arith.constant 0 : i32
      %parallel_loop3A_534 = arith.constant 23 : i32
      %parallel_loop3A_535 = arith.constant 1 : i32
      scf.for %parallel_loop3A_632 = %parallel_loop3A_533 to %parallel_loop3A_534 step %parallel_loop3A_535  : i32 {
        %parallel_loop3A_633 = arith.constant 16 : i32
        %parallel_loop3A_634 = arith.muli %parallel_loop3A_632, %parallel_loop3A_633 : i32
        %parallel_loop3A_635 = tpu.assume_multiple %parallel_loop3A_634, 16 : i32
        %parallel_loop3A_636 = arith.index_cast %parallel_loop3A_635 : i32 to index
        %parallel_loop3A_637 = tpu.vector_load %arg6[%parallel_loop3A_636] {strides = array<i32>} : memref<368xi32, #tpu.memory_space<vmem>>, vector<16xi32>,
        %parallel_loop3A_638 = arith.index_cast %parallel_loop3A_635 : i32 to index
        %parallel_loop3A_639 = tpu.vector_load %arg7[%parallel_loop3A_638] {strides = array<i32>} : memref<368xi32, #tpu.memory_space<vmem>>, vector<16xi32>,
        %parallel_loop3A_640 = arith.constant 0 : i32
        %parallel_loop3A_641 = arith.constant 16 : i32
        %parallel_loop3A_642 = arith.constant 1 : i32
        scf.for %parallel_loop3A_643 = %parallel_loop3A_640 to %parallel_loop3A_641 step %parallel_loop3A_642  : i32 {
          %parallel_loop3A_644 = vector.broadcast %parallel_loop3A_643 : i32 to vector<16xi32>
          %parallel_loop3A_645 = arith.addi %iota3A, %parallel_loop3A_644 : vector<16xi32>
          %parallel_loop3A_646 = arith.constant 15 : i32
          %parallel_loop3A_647 = vector.broadcast %parallel_loop3A_646 : i32 to vector<16xi32>
          %parallel_loop3A_648 = arith.andi %parallel_loop3A_645, %parallel_loop3A_647 : vector<16xi32>
          %parallel_loop3A_649 = arith.constant 3 : i32
          %parallel_loop3A_650 = vector.broadcast %parallel_loop3A_649 : i32 to vector<16xi32>
          %parallel_loop3A_651 = arith.shrsi %parallel_loop3A_648, %parallel_loop3A_650 : vector<16xi32>
          %parallel_loop3A_652 = arith.constant 12 : i32
          %parallel_loop3A_653 = vector.broadcast %parallel_loop3A_652 : i32 to vector<16xi32>
          %parallel_loop3A_654 = arith.shli %parallel_loop3A_651, %parallel_loop3A_653 : vector<16xi32>
          %parallel_loop3A_655 = arith.constant 7 : i32
          %parallel_loop3A_656 = vector.broadcast %parallel_loop3A_655 : i32 to vector<16xi32>
          %parallel_loop3A_657 = arith.andi %parallel_loop3A_648, %parallel_loop3A_656 : vector<16xi32>
          %parallel_loop3A_658 = arith.constant 7 : i32
          %parallel_loop3A_659 = vector.broadcast %parallel_loop3A_658 : i32 to vector<16xi32>
          %parallel_loop3A_660 = arith.shli %parallel_loop3A_657, %parallel_loop3A_659 : vector<16xi32>
          %parallel_loop3A_661 = arith.addi %parallel_loop3A_654, %parallel_loop3A_660 : vector<16xi32>
          %parallel_loop3A_662 = arith.addi %parallel_loop3A_637, %parallel_loop3A_661 : vector<16xi32>
          %parallel_loop3A_663 = arith.constant 96 : i32
          %parallel_loop3A_664 = vector.broadcast %parallel_loop3A_663 : i32 to vector<16xi32>
          %parallel_loop3A_665 = arith.addi %parallel_loop3A_648, %parallel_loop3A_664 : vector<16xi32>
          %parallel_loop3A_666 = arith.constant 0 : i32
          %parallel_loop3A_667 = vector.broadcast %parallel_loop3A_666 : i32 to vector<16xi32>
          %parallel_loop3A_668 = arith.addi %parallel_loop3A_662, %parallel_loop3A_667 : vector<16xi32>
          %parallel_loop3A_669 = tpu.vector_load_idx %arg9[%parallel_loop3A_668] : memref<16384xf32, #tpu.memory_space<vmem>>[vector<16xi32>], vector<16xf32>,
          %parallel_loop3A_670 = arith.constant 0 : i32
          %parallel_loop3A_671 = vector.broadcast %parallel_loop3A_670 : i32 to vector<16xi32>
          %parallel_loop3A_672 = arith.addi %parallel_loop3A_665, %parallel_loop3A_671 : vector<16xi32>
          tpu.vector_store_idx %arg10[%parallel_loop3A_639, %parallel_loop3A_672], %parallel_loop3A_669 : memref<358x128xf32, #tpu.memory_space<vmem>>[vector<16xi32>, vector<16xi32>], vector<16xf32>,
          %parallel_loop3A_673 = arith.constant 8192 : i32
          %parallel_loop3A_674 = vector.broadcast %parallel_loop3A_673 : i32 to vector<16xi32>
          %parallel_loop3A_675 = arith.addi %parallel_loop3A_662, %parallel_loop3A_674 : vector<16xi32>
          %parallel_loop3A_676 = tpu.vector_load_idx %arg9[%parallel_loop3A_675] : memref<16384xf32, #tpu.memory_space<vmem>>[vector<16xi32>], vector<16xf32>,
          %parallel_loop3A_677 = arith.constant 16 : i32
          %parallel_loop3A_678 = vector.broadcast %parallel_loop3A_677 : i32 to vector<16xi32>
          %parallel_loop3A_679 = arith.addi %parallel_loop3A_665, %parallel_loop3A_678 : vector<16xi32>
          tpu.vector_store_idx %arg10[%parallel_loop3A_639, %parallel_loop3A_679], %parallel_loop3A_676 : memref<358x128xf32, #tpu.memory_space<vmem>>[vector<16xi32>, vector<16xi32>], vector<16xf32>,
        } {sc.loop_unroll_factor = 2 : i64, sc.parallel_access}
      } {sc.loop_unroll_factor = 1 : i64, sc.parallel_access}
      %mul3A_536 = arith.constant 128 : i32
      %mul3A_537 = arith.muli %add3A_463, %mul3A_536 : i32
      %add3A_538 = arith.addi %mul3A_2, %mul3A_537 : i32
      %dma_start3A_539 = arith.constant 0 : i32
      %dma_start3A_540 = tpu.memref_slice %arg4[%dma_start3A_539, %add3A_538] : memref<358x16384xf32, #tpu.memory_space<hbm>> -> memref<358x128xf32, #tpu.memory_space<hbm>>
      %dma_start3A_541 = arith.constant 0 : i32
      %dma_start3A_542 = tpu.memref_slice %arg4[%dma_start3A_541, %add3A_538] : memref<358x16384xf32, #tpu.memory_space<hbm>> -> memref<358x128xf32, #tpu.memory_space<hbm>>
      tpu.enqueue_dma source(%arg10 : memref<358x128xf32, #tpu.memory_space<vmem>>) target(%dma_start3A_542 : memref<358x128xf32, #tpu.memory_space<hbm>>) target_semaphore(%arg14 : memref<!tpu.dma_semaphore, #tpu.memory_space<semaphore_mem>>)
      %mul3A_543 = arith.constant 2 : i32
      %mul3A_544 = arith.muli %mul3A_543, %scan3A_458 : i32
      %add3A_545 = arith.constant 1 : i32
      %add3A_546 = arith.addi %mul3A_544, %add3A_545 : i32
      %mul3A_547 = arith.constant 4 : i32
      %mul3A_548 = arith.muli %add3A_546, %mul3A_547 : i32
      %add3A_549 = arith.constant 0 : i32
      %add3A_550 = arith.addi %mul3A_548, %add3A_549 : i32
      %dma_wait3A_551 = arith.constant 0 : i32
      %dma_wait3A_552 = tpu.memref_slice %arg2[%dma_wait3A_551] : memref<8388608xf32, #tpu.memory_space<hbm>> -> memref<16384xf32, #tpu.memory_space<hbm>>
      %dma_wait3A_553 = arith.constant 0 : i32
      %dma_wait3A_554 = tpu.memref_slice %arg2[%dma_wait3A_553] : memref<8388608xf32, #tpu.memory_space<hbm>> -> memref<16384xf32, #tpu.memory_space<hbm>>
      tpu.wait_dma2 semaphore(%arg12 : memref<!tpu.dma_semaphore, #tpu.memory_space<semaphore_mem>>) src(%dma_wait3A_554 : memref<16384xf32, #tpu.memory_space<hbm>>) dst(%arg8 : memref<16384xf32, #tpu.memory_space<vmem>>)
      %add3A_555 = arith.constant 1 : i32
      %add3A_556 = arith.addi %add3A_550, %add3A_555 : i32
      %lt3A_557 = arith.constant 16 : i32
      %lt3A_558 = arith.cmpi slt, %add3A_556, %lt3A_557 : i32
      %convert_element_type3A_559 = arith.extui %lt3A_558 : i1 to i32
      %cond3A_560 = arith.constant 0 : i32
      %cond3A_561 = arith.cmpi ne, %convert_element_type3A_559, %cond3A_560 : i32
      scf.if %cond3A_561 {
        %add3A_632 = arith.constant 1 : i32
        %add3A_633 = arith.addi %add3A_550, %add3A_632 : i32
        %mul3A_634 = arith.constant 32 : i32
        %mul3A_635 = arith.muli %add3A_633, %mul3A_634 : i32
        %add3A_636 = arith.addi %mul3A_2, %mul3A_635 : i32
        %mul3A_637 = arith.constant 512 : i32
        %mul3A_638 = arith.muli %add3A_636, %mul3A_637 : i32
        %dma_start3A_639 = tpu.memref_slice %arg2[%mul3A_638] : memref<8388608xf32, #tpu.memory_space<hbm>> -> memref<16384xf32, #tpu.memory_space<hbm>>
        %dma_start3A_640 = tpu.memref_slice %arg2[%mul3A_638] : memref<8388608xf32, #tpu.memory_space<hbm>> -> memref<16384xf32, #tpu.memory_space<hbm>>
        tpu.enqueue_dma source(%dma_start3A_640 : memref<16384xf32, #tpu.memory_space<hbm>>) target(%arg9 : memref<16384xf32, #tpu.memory_space<vmem>>) target_semaphore(%arg13 : memref<!tpu.dma_semaphore, #tpu.memory_space<semaphore_mem>>)
      } else {
      }
      %ge3A_562 = arith.constant 2 : i32
      %ge3A_563 = arith.cmpi sge, %add3A_546, %ge3A_562 : i32
      %convert_element_type3A_564 = arith.extui %ge3A_563 : i1 to i32
      %cond3A_565 = arith.constant 0 : i32
      %cond3A_566 = arith.cmpi ne, %convert_element_type3A_564, %cond3A_565 : i32
      scf.if %cond3A_566 {
        %dma_wait3A_632 = arith.constant 0 : i32
        %dma_wait3A_633 = arith.constant 0 : i32
        %dma_wait3A_634 = tpu.memref_slice %arg4[%dma_wait3A_632, %dma_wait3A_633] : memref<358x16384xf32, #tpu.memory_space<hbm>> -> memref<358x128xf32, #tpu.memory_space<hbm>>
        %dma_wait3A_635 = arith.constant 0 : i32
        %dma_wait3A_636 = arith.constant 0 : i32
        %dma_wait3A_637 = tpu.memref_slice %arg4[%dma_wait3A_635, %dma_wait3A_636] : memref<358x16384xf32, #tpu.memory_space<hbm>> -> memref<358x128xf32, #tpu.memory_space<hbm>>
        tpu.wait_dma2 semaphore(%arg15 : memref<!tpu.dma_semaphore, #tpu.memory_space<semaphore_mem>>) src(%arg11 : memref<358x128xf32, #tpu.memory_space<vmem>>) dst(%dma_wait3A_637 : memref<358x128xf32, #tpu.memory_space<hbm>>)
      } else {
      }
      %parallel_loop3A_567 = arith.constant 0 : i32
      %parallel_loop3A_568 = arith.constant 23 : i32
      %parallel_loop3A_569 = arith.constant 1 : i32
      scf.for %parallel_loop3A_632 = %parallel_loop3A_567 to %parallel_loop3A_568 step %parallel_loop3A_569  : i32 {
        %parallel_loop3A_633 = arith.constant 16 : i32
        %parallel_loop3A_634 = arith.muli %parallel_loop3A_632, %parallel_loop3A_633 : i32
        %parallel_loop3A_635 = tpu.assume_multiple %parallel_loop3A_634, 16 : i32
        %parallel_loop3A_636 = arith.index_cast %parallel_loop3A_635 : i32 to index
        %parallel_loop3A_637 = tpu.vector_load %arg6[%parallel_loop3A_636] {strides = array<i32>} : memref<368xi32, #tpu.memory_space<vmem>>, vector<16xi32>,
        %parallel_loop3A_638 = arith.index_cast %parallel_loop3A_635 : i32 to index
        %parallel_loop3A_639 = tpu.vector_load %arg7[%parallel_loop3A_638] {strides = array<i32>} : memref<368xi32, #tpu.memory_space<vmem>>, vector<16xi32>,
        %parallel_loop3A_640 = arith.constant 0 : i32
        %parallel_loop3A_641 = arith.constant 16 : i32
        %parallel_loop3A_642 = arith.constant 1 : i32
        scf.for %parallel_loop3A_643 = %parallel_loop3A_640 to %parallel_loop3A_641 step %parallel_loop3A_642  : i32 {
          %parallel_loop3A_644 = vector.broadcast %parallel_loop3A_643 : i32 to vector<16xi32>
          %parallel_loop3A_645 = arith.addi %iota3A, %parallel_loop3A_644 : vector<16xi32>
          %parallel_loop3A_646 = arith.constant 15 : i32
          %parallel_loop3A_647 = vector.broadcast %parallel_loop3A_646 : i32 to vector<16xi32>
          %parallel_loop3A_648 = arith.andi %parallel_loop3A_645, %parallel_loop3A_647 : vector<16xi32>
          %parallel_loop3A_649 = arith.constant 3 : i32
          %parallel_loop3A_650 = vector.broadcast %parallel_loop3A_649 : i32 to vector<16xi32>
          %parallel_loop3A_651 = arith.shrsi %parallel_loop3A_648, %parallel_loop3A_650 : vector<16xi32>
          %parallel_loop3A_652 = arith.constant 12 : i32
          %parallel_loop3A_653 = vector.broadcast %parallel_loop3A_652 : i32 to vector<16xi32>
          %parallel_loop3A_654 = arith.shli %parallel_loop3A_651, %parallel_loop3A_653 : vector<16xi32>
          %parallel_loop3A_655 = arith.constant 7 : i32
          %parallel_loop3A_656 = vector.broadcast %parallel_loop3A_655 : i32 to vector<16xi32>
          %parallel_loop3A_657 = arith.andi %parallel_loop3A_648, %parallel_loop3A_656 : vector<16xi32>
          %parallel_loop3A_658 = arith.constant 7 : i32
          %parallel_loop3A_659 = vector.broadcast %parallel_loop3A_658 : i32 to vector<16xi32>
          %parallel_loop3A_660 = arith.shli %parallel_loop3A_657, %parallel_loop3A_659 : vector<16xi32>
          %parallel_loop3A_661 = arith.addi %parallel_loop3A_654, %parallel_loop3A_660 : vector<16xi32>
          %parallel_loop3A_662 = arith.addi %parallel_loop3A_637, %parallel_loop3A_661 : vector<16xi32>
          %parallel_loop3A_663 = arith.constant 0 : i32
          %parallel_loop3A_664 = vector.broadcast %parallel_loop3A_663 : i32 to vector<16xi32>
          %parallel_loop3A_665 = arith.addi %parallel_loop3A_648, %parallel_loop3A_664 : vector<16xi32>
          %parallel_loop3A_666 = arith.constant 0 : i32
          %parallel_loop3A_667 = vector.broadcast %parallel_loop3A_666 : i32 to vector<16xi32>
          %parallel_loop3A_668 = arith.addi %parallel_loop3A_662, %parallel_loop3A_667 : vector<16xi32>
          %parallel_loop3A_669 = tpu.vector_load_idx %arg8[%parallel_loop3A_668] : memref<16384xf32, #tpu.memory_space<vmem>>[vector<16xi32>], vector<16xf32>,
          %parallel_loop3A_670 = arith.constant 0 : i32
          %parallel_loop3A_671 = vector.broadcast %parallel_loop3A_670 : i32 to vector<16xi32>
          %parallel_loop3A_672 = arith.addi %parallel_loop3A_665, %parallel_loop3A_671 : vector<16xi32>
          tpu.vector_store_idx %arg11[%parallel_loop3A_639, %parallel_loop3A_672], %parallel_loop3A_669 : memref<358x128xf32, #tpu.memory_space<vmem>>[vector<16xi32>, vector<16xi32>], vector<16xf32>,
          %parallel_loop3A_673 = arith.constant 8192 : i32
          %parallel_loop3A_674 = vector.broadcast %parallel_loop3A_673 : i32 to vector<16xi32>
          %parallel_loop3A_675 = arith.addi %parallel_loop3A_662, %parallel_loop3A_674 : vector<16xi32>
          %parallel_loop3A_676 = tpu.vector_load_idx %arg8[%parallel_loop3A_675] : memref<16384xf32, #tpu.memory_space<vmem>>[vector<16xi32>], vector<16xf32>,
          %parallel_loop3A_677 = arith.constant 16 : i32
          %parallel_loop3A_678 = vector.broadcast %parallel_loop3A_677 : i32 to vector<16xi32>
          %parallel_loop3A_679 = arith.addi %parallel_loop3A_665, %parallel_loop3A_678 : vector<16xi32>
          tpu.vector_store_idx %arg11[%parallel_loop3A_639, %parallel_loop3A_679], %parallel_loop3A_676 : memref<358x128xf32, #tpu.memory_space<vmem>>[vector<16xi32>, vector<16xi32>], vector<16xf32>,
        } {sc.loop_unroll_factor = 2 : i64, sc.parallel_access}
      } {sc.loop_unroll_factor = 1 : i64, sc.parallel_access}
      %mul3A_570 = arith.constant 4 : i32
      %mul3A_571 = arith.muli %add3A_546, %mul3A_570 : i32
      %add3A_572 = arith.constant 1 : i32
      %add3A_573 = arith.addi %mul3A_571, %add3A_572 : i32
      %dma_wait3A_574 = arith.constant 0 : i32
      %dma_wait3A_575 = tpu.memref_slice %arg2[%dma_wait3A_574] : memref<8388608xf32, #tpu.memory_space<hbm>> -> memref<16384xf32, #tpu.memory_space<hbm>>
      %dma_wait3A_576 = arith.constant 0 : i32
      %dma_wait3A_577 = tpu.memref_slice %arg2[%dma_wait3A_576] : memref<8388608xf32, #tpu.memory_space<hbm>> -> memref<16384xf32, #tpu.memory_space<hbm>>
      tpu.wait_dma2 semaphore(%arg13 : memref<!tpu.dma_semaphore, #tpu.memory_space<semaphore_mem>>) src(%dma_wait3A_577 : memref<16384xf32, #tpu.memory_space<hbm>>) dst(%arg9 : memref<16384xf32, #tpu.memory_space<vmem>>)
      %add3A_578 = arith.constant 1 : i32
      %add3A_579 = arith.addi %add3A_573, %add3A_578 : i32
      %lt3A_580 = arith.constant 16 : i32
      %lt3A_581 = arith.cmpi slt, %add3A_579, %lt3A_580 : i32
      %convert_element_type3A_582 = arith.extui %lt3A_581 : i1 to i32
      %cond3A_583 = arith.constant 0 : i32
      %cond3A_584 = arith.cmpi ne, %convert_element_type3A_582, %cond3A_583 : i32
      scf.if %cond3A_584 {
        %add3A_632 = arith.constant 1 : i32
        %add3A_633 = arith.addi %add3A_573, %add3A_632 : i32
        %mul3A_634 = arith.constant 32 : i32
        %mul3A_635 = arith.muli %add3A_633, %mul3A_634 : i32
        %add3A_636 = arith.addi %mul3A_2, %mul3A_635 : i32
        %mul3A_637 = arith.constant 512 : i32
        %mul3A_638 = arith.muli %add3A_636, %mul3A_637 : i32
        %dma_start3A_639 = tpu.memref_slice %arg2[%mul3A_638] : memref<8388608xf32, #tpu.memory_space<hbm>> -> memref<16384xf32, #tpu.memory_space<hbm>>
        %dma_start3A_640 = tpu.memref_slice %arg2[%mul3A_638] : memref<8388608xf32, #tpu.memory_space<hbm>> -> memref<16384xf32, #tpu.memory_space<hbm>>
        tpu.enqueue_dma source(%dma_start3A_640 : memref<16384xf32, #tpu.memory_space<hbm>>) target(%arg8 : memref<16384xf32, #tpu.memory_space<vmem>>) target_semaphore(%arg12 : memref<!tpu.dma_semaphore, #tpu.memory_space<semaphore_mem>>)
      } else {
      }
      %parallel_loop3A_585 = arith.constant 0 : i32
      %parallel_loop3A_586 = arith.constant 23 : i32
      %parallel_loop3A_587 = arith.constant 1 : i32
      scf.for %parallel_loop3A_632 = %parallel_loop3A_585 to %parallel_loop3A_586 step %parallel_loop3A_587  : i32 {
        %parallel_loop3A_633 = arith.constant 16 : i32
        %parallel_loop3A_634 = arith.muli %parallel_loop3A_632, %parallel_loop3A_633 : i32
        %parallel_loop3A_635 = tpu.assume_multiple %parallel_loop3A_634, 16 : i32
        %parallel_loop3A_636 = arith.index_cast %parallel_loop3A_635 : i32 to index
        %parallel_loop3A_637 = tpu.vector_load %arg6[%parallel_loop3A_636] {strides = array<i32>} : memref<368xi32, #tpu.memory_space<vmem>>, vector<16xi32>,
        %parallel_loop3A_638 = arith.index_cast %parallel_loop3A_635 : i32 to index
        %parallel_loop3A_639 = tpu.vector_load %arg7[%parallel_loop3A_638] {strides = array<i32>} : memref<368xi32, #tpu.memory_space<vmem>>, vector<16xi32>,
        %parallel_loop3A_640 = arith.constant 0 : i32
        %parallel_loop3A_641 = arith.constant 16 : i32
        %parallel_loop3A_642 = arith.constant 1 : i32
        scf.for %parallel_loop3A_643 = %parallel_loop3A_640 to %parallel_loop3A_641 step %parallel_loop3A_642  : i32 {
          %parallel_loop3A_644 = vector.broadcast %parallel_loop3A_643 : i32 to vector<16xi32>
          %parallel_loop3A_645 = arith.addi %iota3A, %parallel_loop3A_644 : vector<16xi32>
          %parallel_loop3A_646 = arith.constant 15 : i32
          %parallel_loop3A_647 = vector.broadcast %parallel_loop3A_646 : i32 to vector<16xi32>
          %parallel_loop3A_648 = arith.andi %parallel_loop3A_645, %parallel_loop3A_647 : vector<16xi32>
          %parallel_loop3A_649 = arith.constant 3 : i32
          %parallel_loop3A_650 = vector.broadcast %parallel_loop3A_649 : i32 to vector<16xi32>
          %parallel_loop3A_651 = arith.shrsi %parallel_loop3A_648, %parallel_loop3A_650 : vector<16xi32>
          %parallel_loop3A_652 = arith.constant 12 : i32
          %parallel_loop3A_653 = vector.broadcast %parallel_loop3A_652 : i32 to vector<16xi32>
          %parallel_loop3A_654 = arith.shli %parallel_loop3A_651, %parallel_loop3A_653 : vector<16xi32>
          %parallel_loop3A_655 = arith.constant 7 : i32
          %parallel_loop3A_656 = vector.broadcast %parallel_loop3A_655 : i32 to vector<16xi32>
          %parallel_loop3A_657 = arith.andi %parallel_loop3A_648, %parallel_loop3A_656 : vector<16xi32>
          %parallel_loop3A_658 = arith.constant 7 : i32
          %parallel_loop3A_659 = vector.broadcast %parallel_loop3A_658 : i32 to vector<16xi32>
          %parallel_loop3A_660 = arith.shli %parallel_loop3A_657, %parallel_loop3A_659 : vector<16xi32>
          %parallel_loop3A_661 = arith.addi %parallel_loop3A_654, %parallel_loop3A_660 : vector<16xi32>
          %parallel_loop3A_662 = arith.addi %parallel_loop3A_637, %parallel_loop3A_661 : vector<16xi32>
          %parallel_loop3A_663 = arith.constant 32 : i32
          %parallel_loop3A_664 = vector.broadcast %parallel_loop3A_663 : i32 to vector<16xi32>
          %parallel_loop3A_665 = arith.addi %parallel_loop3A_648, %parallel_loop3A_664 : vector<16xi32>
          %parallel_loop3A_666 = arith.constant 0 : i32
          %parallel_loop3A_667 = vector.broadcast %parallel_loop3A_666 : i32 to vector<16xi32>
          %parallel_loop3A_668 = arith.addi %parallel_loop3A_662, %parallel_loop3A_667 : vector<16xi32>
          %parallel_loop3A_669 = tpu.vector_load_idx %arg9[%parallel_loop3A_668] : memref<16384xf32, #tpu.memory_space<vmem>>[vector<16xi32>], vector<16xf32>,
          %parallel_loop3A_670 = arith.constant 0 : i32
          %parallel_loop3A_671 = vector.broadcast %parallel_loop3A_670 : i32 to vector<16xi32>
          %parallel_loop3A_672 = arith.addi %parallel_loop3A_665, %parallel_loop3A_671 : vector<16xi32>
          tpu.vector_store_idx %arg11[%parallel_loop3A_639, %parallel_loop3A_672], %parallel_loop3A_669 : memref<358x128xf32, #tpu.memory_space<vmem>>[vector<16xi32>, vector<16xi32>], vector<16xf32>,
          %parallel_loop3A_673 = arith.constant 8192 : i32
          %parallel_loop3A_674 = vector.broadcast %parallel_loop3A_673 : i32 to vector<16xi32>
          %parallel_loop3A_675 = arith.addi %parallel_loop3A_662, %parallel_loop3A_674 : vector<16xi32>
          %parallel_loop3A_676 = tpu.vector_load_idx %arg9[%parallel_loop3A_675] : memref<16384xf32, #tpu.memory_space<vmem>>[vector<16xi32>], vector<16xf32>,
          %parallel_loop3A_677 = arith.constant 16 : i32
          %parallel_loop3A_678 = vector.broadcast %parallel_loop3A_677 : i32 to vector<16xi32>
          %parallel_loop3A_679 = arith.addi %parallel_loop3A_665, %parallel_loop3A_678 : vector<16xi32>
          tpu.vector_store_idx %arg11[%parallel_loop3A_639, %parallel_loop3A_679], %parallel_loop3A_676 : memref<358x128xf32, #tpu.memory_space<vmem>>[vector<16xi32>, vector<16xi32>], vector<16xf32>,
        } {sc.loop_unroll_factor = 2 : i64, sc.parallel_access}
      } {sc.loop_unroll_factor = 1 : i64, sc.parallel_access}
      %mul3A_588 = arith.constant 4 : i32
      %mul3A_589 = arith.muli %add3A_546, %mul3A_588 : i32
      %add3A_590 = arith.constant 2 : i32
      %add3A_591 = arith.addi %mul3A_589, %add3A_590 : i32
      %dma_wait3A_592 = arith.constant 0 : i32
      %dma_wait3A_593 = tpu.memref_slice %arg2[%dma_wait3A_592] : memref<8388608xf32, #tpu.memory_space<hbm>> -> memref<16384xf32, #tpu.memory_space<hbm>>
      %dma_wait3A_594 = arith.constant 0 : i32
      %dma_wait3A_595 = tpu.memref_slice %arg2[%dma_wait3A_594] : memref<8388608xf32, #tpu.memory_space<hbm>> -> memref<16384xf32, #tpu.memory_space<hbm>>
      tpu.wait_dma2 semaphore(%arg12 : memref<!tpu.dma_semaphore, #tpu.memory_space<semaphore_mem>>) src(%dma_wait3A_595 : memref<16384xf32, #tpu.memory_space<hbm>>) dst(%arg8 : memref<16384xf32, #tpu.memory_space<vmem>>)
      %add3A_596 = arith.constant 1 : i32
      %add3A_597 = arith.addi %add3A_591, %add3A_596 : i32
      %lt3A_598 = arith.constant 16 : i32
      %lt3A_599 = arith.cmpi slt, %add3A_597, %lt3A_598 : i32
      %convert_element_type3A_600 = arith.extui %lt3A_599 : i1 to i32
      %cond3A_601 = arith.constant 0 : i32
      %cond3A_602 = arith.cmpi ne, %convert_element_type3A_600, %cond3A_601 : i32
      scf.if %cond3A_602 {
        %add3A_632 = arith.constant 1 : i32
        %add3A_633 = arith.addi %add3A_591, %add3A_632 : i32
        %mul3A_634 = arith.constant 32 : i32
        %mul3A_635 = arith.muli %add3A_633, %mul3A_634 : i32
        %add3A_636 = arith.addi %mul3A_2, %mul3A_635 : i32
        %mul3A_637 = arith.constant 512 : i32
        %mul3A_638 = arith.muli %add3A_636, %mul3A_637 : i32
        %dma_start3A_639 = tpu.memref_slice %arg2[%mul3A_638] : memref<8388608xf32, #tpu.memory_space<hbm>> -> memref<16384xf32, #tpu.memory_space<hbm>>
        %dma_start3A_640 = tpu.memref_slice %arg2[%mul3A_638] : memref<8388608xf32, #tpu.memory_space<hbm>> -> memref<16384xf32, #tpu.memory_space<hbm>>
        tpu.enqueue_dma source(%dma_start3A_640 : memref<16384xf32, #tpu.memory_space<hbm>>) target(%arg9 : memref<16384xf32, #tpu.memory_space<vmem>>) target_semaphore(%arg13 : memref<!tpu.dma_semaphore, #tpu.memory_space<semaphore_mem>>)
      } else {
      }
      %parallel_loop3A_603 = arith.constant 0 : i32
      %parallel_loop3A_604 = arith.constant 23 : i32
      %parallel_loop3A_605 = arith.constant 1 : i32
      scf.for %parallel_loop3A_632 = %parallel_loop3A_603 to %parallel_loop3A_604 step %parallel_loop3A_605  : i32 {
        %parallel_loop3A_633 = arith.constant 16 : i32
        %parallel_loop3A_634 = arith.muli %parallel_loop3A_632, %parallel_loop3A_633 : i32
        %parallel_loop3A_635 = tpu.assume_multiple %parallel_loop3A_634, 16 : i32
        %parallel_loop3A_636 = arith.index_cast %parallel_loop3A_635 : i32 to index
        %parallel_loop3A_637 = tpu.vector_load %arg6[%parallel_loop3A_636] {strides = array<i32>} : memref<368xi32, #tpu.memory_space<vmem>>, vector<16xi32>,
        %parallel_loop3A_638 = arith.index_cast %parallel_loop3A_635 : i32 to index
        %parallel_loop3A_639 = tpu.vector_load %arg7[%parallel_loop3A_638] {strides = array<i32>} : memref<368xi32, #tpu.memory_space<vmem>>, vector<16xi32>,
        %parallel_loop3A_640 = arith.constant 0 : i32
        %parallel_loop3A_641 = arith.constant 16 : i32
        %parallel_loop3A_642 = arith.constant 1 : i32
        scf.for %parallel_loop3A_643 = %parallel_loop3A_640 to %parallel_loop3A_641 step %parallel_loop3A_642  : i32 {
          %parallel_loop3A_644 = vector.broadcast %parallel_loop3A_643 : i32 to vector<16xi32>
          %parallel_loop3A_645 = arith.addi %iota3A, %parallel_loop3A_644 : vector<16xi32>
          %parallel_loop3A_646 = arith.constant 15 : i32
          %parallel_loop3A_647 = vector.broadcast %parallel_loop3A_646 : i32 to vector<16xi32>
          %parallel_loop3A_648 = arith.andi %parallel_loop3A_645, %parallel_loop3A_647 : vector<16xi32>
          %parallel_loop3A_649 = arith.constant 3 : i32
          %parallel_loop3A_650 = vector.broadcast %parallel_loop3A_649 : i32 to vector<16xi32>
          %parallel_loop3A_651 = arith.shrsi %parallel_loop3A_648, %parallel_loop3A_650 : vector<16xi32>
          %parallel_loop3A_652 = arith.constant 12 : i32
          %parallel_loop3A_653 = vector.broadcast %parallel_loop3A_652 : i32 to vector<16xi32>
          %parallel_loop3A_654 = arith.shli %parallel_loop3A_651, %parallel_loop3A_653 : vector<16xi32>
          %parallel_loop3A_655 = arith.constant 7 : i32
          %parallel_loop3A_656 = vector.broadcast %parallel_loop3A_655 : i32 to vector<16xi32>
          %parallel_loop3A_657 = arith.andi %parallel_loop3A_648, %parallel_loop3A_656 : vector<16xi32>
          %parallel_loop3A_658 = arith.constant 7 : i32
          %parallel_loop3A_659 = vector.broadcast %parallel_loop3A_658 : i32 to vector<16xi32>
          %parallel_loop3A_660 = arith.shli %parallel_loop3A_657, %parallel_loop3A_659 : vector<16xi32>
          %parallel_loop3A_661 = arith.addi %parallel_loop3A_654, %parallel_loop3A_660 : vector<16xi32>
          %parallel_loop3A_662 = arith.addi %parallel_loop3A_637, %parallel_loop3A_661 : vector<16xi32>
          %parallel_loop3A_663 = arith.constant 64 : i32
          %parallel_loop3A_664 = vector.broadcast %parallel_loop3A_663 : i32 to vector<16xi32>
          %parallel_loop3A_665 = arith.addi %parallel_loop3A_648, %parallel_loop3A_664 : vector<16xi32>
          %parallel_loop3A_666 = arith.constant 0 : i32
          %parallel_loop3A_667 = vector.broadcast %parallel_loop3A_666 : i32 to vector<16xi32>
          %parallel_loop3A_668 = arith.addi %parallel_loop3A_662, %parallel_loop3A_667 : vector<16xi32>
          %parallel_loop3A_669 = tpu.vector_load_idx %arg8[%parallel_loop3A_668] : memref<16384xf32, #tpu.memory_space<vmem>>[vector<16xi32>], vector<16xf32>,
          %parallel_loop3A_670 = arith.constant 0 : i32
          %parallel_loop3A_671 = vector.broadcast %parallel_loop3A_670 : i32 to vector<16xi32>
          %parallel_loop3A_672 = arith.addi %parallel_loop3A_665, %parallel_loop3A_671 : vector<16xi32>
          tpu.vector_store_idx %arg11[%parallel_loop3A_639, %parallel_loop3A_672], %parallel_loop3A_669 : memref<358x128xf32, #tpu.memory_space<vmem>>[vector<16xi32>, vector<16xi32>], vector<16xf32>,
          %parallel_loop3A_673 = arith.constant 8192 : i32
          %parallel_loop3A_674 = vector.broadcast %parallel_loop3A_673 : i32 to vector<16xi32>
          %parallel_loop3A_675 = arith.addi %parallel_loop3A_662, %parallel_loop3A_674 : vector<16xi32>
          %parallel_loop3A_676 = tpu.vector_load_idx %arg8[%parallel_loop3A_675] : memref<16384xf32, #tpu.memory_space<vmem>>[vector<16xi32>], vector<16xf32>,
          %parallel_loop3A_677 = arith.constant 16 : i32
          %parallel_loop3A_678 = vector.broadcast %parallel_loop3A_677 : i32 to vector<16xi32>
          %parallel_loop3A_679 = arith.addi %parallel_loop3A_665, %parallel_loop3A_678 : vector<16xi32>
          tpu.vector_store_idx %arg11[%parallel_loop3A_639, %parallel_loop3A_679], %parallel_loop3A_676 : memref<358x128xf32, #tpu.memory_space<vmem>>[vector<16xi32>, vector<16xi32>], vector<16xf32>,
        } {sc.loop_unroll_factor = 2 : i64, sc.parallel_access}
      } {sc.loop_unroll_factor = 1 : i64, sc.parallel_access}
      %mul3A_606 = arith.constant 4 : i32
      %mul3A_607 = arith.muli %add3A_546, %mul3A_606 : i32
      %add3A_608 = arith.constant 3 : i32
      %add3A_609 = arith.addi %mul3A_607, %add3A_608 : i32
      %dma_wait3A_610 = arith.constant 0 : i32
      %dma_wait3A_611 = tpu.memref_slice %arg2[%dma_wait3A_610] : memref<8388608xf32, #tpu.memory_space<hbm>> -> memref<16384xf32, #tpu.memory_space<hbm>>
      %dma_wait3A_612 = arith.constant 0 : i32
      %dma_wait3A_613 = tpu.memref_slice %arg2[%dma_wait3A_612] : memref<8388608xf32, #tpu.memory_space<hbm>> -> memref<16384xf32, #tpu.memory_space<hbm>>
      tpu.wait_dma2 semaphore(%arg13 : memref<!tpu.dma_semaphore, #tpu.memory_space<semaphore_mem>>) src(%dma_wait3A_613 : memref<16384xf32, #tpu.memory_space<hbm>>) dst(%arg9 : memref<16384xf32, #tpu.memory_space<vmem>>)
      %add3A_614 = arith.constant 1 : i32
      %add3A_615 = arith.addi %add3A_609, %add3A_614 : i32
      %lt3A_616 = arith.constant 16 : i32
      %lt3A_617 = arith.cmpi slt, %add3A_615, %lt3A_616 : i32
      %convert_element_type3A_618 = arith.extui %lt3A_617 : i1 to i32
      %cond3A_619 = arith.constant 0 : i32
      %cond3A_620 = arith.cmpi ne, %convert_element_type3A_618, %cond3A_619 : i32
      scf.if %cond3A_620 {
        %add3A_632 = arith.constant 1 : i32
        %add3A_633 = arith.addi %add3A_609, %add3A_632 : i32
        %mul3A_634 = arith.constant 32 : i32
        %mul3A_635 = arith.muli %add3A_633, %mul3A_634 : i32
        %add3A_636 = arith.addi %mul3A_2, %mul3A_635 : i32
        %mul3A_637 = arith.constant 512 : i32
        %mul3A_638 = arith.muli %add3A_636, %mul3A_637 : i32
        %dma_start3A_639 = tpu.memref_slice %arg2[%mul3A_638] : memref<8388608xf32, #tpu.memory_space<hbm>> -> memref<16384xf32, #tpu.memory_space<hbm>>
        %dma_start3A_640 = tpu.memref_slice %arg2[%mul3A_638] : memref<8388608xf32, #tpu.memory_space<hbm>> -> memref<16384xf32, #tpu.memory_space<hbm>>
        tpu.enqueue_dma source(%dma_start3A_640 : memref<16384xf32, #tpu.memory_space<hbm>>) target(%arg8 : memref<16384xf32, #tpu.memory_space<vmem>>) target_semaphore(%arg12 : memref<!tpu.dma_semaphore, #tpu.memory_space<semaphore_mem>>)
      } else {
      }
      %parallel_loop3A_621 = arith.constant 0 : i32
      %parallel_loop3A_622 = arith.constant 23 : i32
      %parallel_loop3A_623 = arith.constant 1 : i32
      scf.for %parallel_loop3A_632 = %parallel_loop3A_621 to %parallel_loop3A_622 step %parallel_loop3A_623  : i32 {
        %parallel_loop3A_633 = arith.constant 16 : i32
        %parallel_loop3A_634 = arith.muli %parallel_loop3A_632, %parallel_loop3A_633 : i32
        %parallel_loop3A_635 = tpu.assume_multiple %parallel_loop3A_634, 16 : i32
        %parallel_loop3A_636 = arith.index_cast %parallel_loop3A_635 : i32 to index
        %parallel_loop3A_637 = tpu.vector_load %arg6[%parallel_loop3A_636] {strides = array<i32>} : memref<368xi32, #tpu.memory_space<vmem>>, vector<16xi32>,
        %parallel_loop3A_638 = arith.index_cast %parallel_loop3A_635 : i32 to index
        %parallel_loop3A_639 = tpu.vector_load %arg7[%parallel_loop3A_638] {strides = array<i32>} : memref<368xi32, #tpu.memory_space<vmem>>, vector<16xi32>,
        %parallel_loop3A_640 = arith.constant 0 : i32
        %parallel_loop3A_641 = arith.constant 16 : i32
        %parallel_loop3A_642 = arith.constant 1 : i32
        scf.for %parallel_loop3A_643 = %parallel_loop3A_640 to %parallel_loop3A_641 step %parallel_loop3A_642  : i32 {
          %parallel_loop3A_644 = vector.broadcast %parallel_loop3A_643 : i32 to vector<16xi32>
          %parallel_loop3A_645 = arith.addi %iota3A, %parallel_loop3A_644 : vector<16xi32>
          %parallel_loop3A_646 = arith.constant 15 : i32
          %parallel_loop3A_647 = vector.broadcast %parallel_loop3A_646 : i32 to vector<16xi32>
          %parallel_loop3A_648 = arith.andi %parallel_loop3A_645, %parallel_loop3A_647 : vector<16xi32>
          %parallel_loop3A_649 = arith.constant 3 : i32
          %parallel_loop3A_650 = vector.broadcast %parallel_loop3A_649 : i32 to vector<16xi32>
          %parallel_loop3A_651 = arith.shrsi %parallel_loop3A_648, %parallel_loop3A_650 : vector<16xi32>
          %parallel_loop3A_652 = arith.constant 12 : i32
          %parallel_loop3A_653 = vector.broadcast %parallel_loop3A_652 : i32 to vector<16xi32>
          %parallel_loop3A_654 = arith.shli %parallel_loop3A_651, %parallel_loop3A_653 : vector<16xi32>
          %parallel_loop3A_655 = arith.constant 7 : i32
          %parallel_loop3A_656 = vector.broadcast %parallel_loop3A_655 : i32 to vector<16xi32>
          %parallel_loop3A_657 = arith.andi %parallel_loop3A_648, %parallel_loop3A_656 : vector<16xi32>
          %parallel_loop3A_658 = arith.constant 7 : i32
          %parallel_loop3A_659 = vector.broadcast %parallel_loop3A_658 : i32 to vector<16xi32>
          %parallel_loop3A_660 = arith.shli %parallel_loop3A_657, %parallel_loop3A_659 : vector<16xi32>
          %parallel_loop3A_661 = arith.addi %parallel_loop3A_654, %parallel_loop3A_660 : vector<16xi32>
          %parallel_loop3A_662 = arith.addi %parallel_loop3A_637, %parallel_loop3A_661 : vector<16xi32>
          %parallel_loop3A_663 = arith.constant 96 : i32
          %parallel_loop3A_664 = vector.broadcast %parallel_loop3A_663 : i32 to vector<16xi32>
          %parallel_loop3A_665 = arith.addi %parallel_loop3A_648, %parallel_loop3A_664 : vector<16xi32>
          %parallel_loop3A_666 = arith.constant 0 : i32
          %parallel_loop3A_667 = vector.broadcast %parallel_loop3A_666 : i32 to vector<16xi32>
          %parallel_loop3A_668 = arith.addi %parallel_loop3A_662, %parallel_loop3A_667 : vector<16xi32>
          %parallel_loop3A_669 = tpu.vector_load_idx %arg9[%parallel_loop3A_668] : memref<16384xf32, #tpu.memory_space<vmem>>[vector<16xi32>], vector<16xf32>,
          %parallel_loop3A_670 = arith.constant 0 : i32
          %parallel_loop3A_671 = vector.broadcast %parallel_loop3A_670 : i32 to vector<16xi32>
          %parallel_loop3A_672 = arith.addi %parallel_loop3A_665, %parallel_loop3A_671 : vector<16xi32>
          tpu.vector_store_idx %arg11[%parallel_loop3A_639, %parallel_loop3A_672], %parallel_loop3A_669 : memref<358x128xf32, #tpu.memory_space<vmem>>[vector<16xi32>, vector<16xi32>], vector<16xf32>,
          %parallel_loop3A_673 = arith.constant 8192 : i32
          %parallel_loop3A_674 = vector.broadcast %parallel_loop3A_673 : i32 to vector<16xi32>
          %parallel_loop3A_675 = arith.addi %parallel_loop3A_662, %parallel_loop3A_674 : vector<16xi32>
          %parallel_loop3A_676 = tpu.vector_load_idx %arg9[%parallel_loop3A_675] : memref<16384xf32, #tpu.memory_space<vmem>>[vector<16xi32>], vector<16xf32>,
          %parallel_loop3A_677 = arith.constant 16 : i32
          %parallel_loop3A_678 = vector.broadcast %parallel_loop3A_677 : i32 to vector<16xi32>
          %parallel_loop3A_679 = arith.addi %parallel_loop3A_665, %parallel_loop3A_678 : vector<16xi32>
          tpu.vector_store_idx %arg11[%parallel_loop3A_639, %parallel_loop3A_679], %parallel_loop3A_676 : memref<358x128xf32, #tpu.memory_space<vmem>>[vector<16xi32>, vector<16xi32>], vector<16xf32>,
        } {sc.loop_unroll_factor = 2 : i64, sc.parallel_access}
      } {sc.loop_unroll_factor = 1 : i64, sc.parallel_access}
      %mul3A_624 = arith.constant 128 : i32
      %mul3A_625 = arith.muli %add3A_546, %mul3A_624 : i32
      %add3A_626 = arith.addi %mul3A_2, %mul3A_625 : i32
      %dma_start3A_627 = arith.constant 0 : i32
      %dma_start3A_628 = tpu.memref_slice %arg4[%dma_start3A_627, %add3A_626] : memref<358x16384xf32, #tpu.memory_space<hbm>> -> memref<358x128xf32, #tpu.memory_space<hbm>>
      %dma_start3A_629 = arith.constant 0 : i32
      %dma_start3A_630 = tpu.memref_slice %arg4[%dma_start3A_629, %add3A_626] : memref<358x16384xf32, #tpu.memory_space<hbm>> -> memref<358x128xf32, #tpu.memory_space<hbm>>
      tpu.enqueue_dma source(%arg11 : memref<358x128xf32, #tpu.memory_space<vmem>>) target(%dma_start3A_630 : memref<358x128xf32, #tpu.memory_space<hbm>>) target_semaphore(%arg15 : memref<!tpu.dma_semaphore, #tpu.memory_space<semaphore_mem>>)
      %scan3A_631 = arith.constant 0 : i32
      scf.yield %scan3A_631 : i32
    }
    %scan3A_446 = arith.constant 2 : i32
    %dma_wait3A = arith.constant 0 : i32
    %dma_wait3A_447 = arith.constant 0 : i32
    %dma_wait3A_448 = tpu.memref_slice %arg4[%dma_wait3A, %dma_wait3A_447] : memref<358x16384xf32, #tpu.memory_space<hbm>> -> memref<358x128xf32, #tpu.memory_space<hbm>>
    %dma_wait3A_449 = arith.constant 0 : i32
    %dma_wait3A_450 = arith.constant 0 : i32
    %dma_wait3A_451 = tpu.memref_slice %arg4[%dma_wait3A_449, %dma_wait3A_450] : memref<358x16384xf32, #tpu.memory_space<hbm>> -> memref<358x128xf32, #tpu.memory_space<hbm>>
    tpu.wait_dma2 semaphore(%arg14 : memref<!tpu.dma_semaphore, #tpu.memory_space<semaphore_mem>>) src(%arg10 : memref<358x128xf32, #tpu.memory_space<vmem>>) dst(%dma_wait3A_451 : memref<358x128xf32, #tpu.memory_space<hbm>>)
    %dma_wait3A_452 = arith.constant 0 : i32
    %dma_wait3A_453 = arith.constant 0 : i32
    %dma_wait3A_454 = tpu.memref_slice %arg4[%dma_wait3A_452, %dma_wait3A_453] : memref<358x16384xf32, #tpu.memory_space<hbm>> -> memref<358x128xf32, #tpu.memory_space<hbm>>
    %dma_wait3A_455 = arith.constant 0 : i32
    %dma_wait3A_456 = arith.constant 0 : i32
    %dma_wait3A_457 = tpu.memref_slice %arg4[%dma_wait3A_455, %dma_wait3A_456] : memref<358x16384xf32, #tpu.memory_space<hbm>> -> memref<358x128xf32, #tpu.memory_space<hbm>>
    tpu.wait_dma2 semaphore(%arg15 : memref<!tpu.dma_semaphore, #tpu.memory_space<semaphore_mem>>) src(%arg11 : memref<358x128xf32, #tpu.memory_space<vmem>>) dst(%dma_wait3A_457 : memref<358x128xf32, #tpu.memory_space<hbm>>)
    return
  }
}

</mosaic_0001>

<sc_bundles>
// kernel: kernel.3.cloned.1.call-start
scs
__scs_entry_jumppad:
0x0: {  	(pc) =	sbr.rel $0x88, $3  }
0x1: {  	(tag) =	ssettag $0x0;
	lr =	simm.s32 $0x1  }
0x2: {  	[smem:$0x3F9F] =	sst lr;
	_ =	strace $0xD0000000  }
0x3: {  	_ = 	snop  }
0x4: {  	_ = 	snop  }
0x5: {  	_ = 	snop  }
0x6: {  	_ = 	snop  }
0x7: {  	_ = 	snop  }
__scs_overlays_trampoline_lowered:
0x8: {  	[smem:$0x3FAE] =	sst s0  }
0x9: {  	[smem:$0x3FAF] =	sst s1  }
0xa: {  	[smem:$0x3FB0] =	sst s2  }
0xb: {  	[smem:$0x3FB1] =	sst s3  }
0xc: {  	[smem:$0x3FB2] =	sst s4  }
0xd: {  	[smem:$0x3FB3] =	sst s5  }
0xe: {  	[smem:$0x3FB4] =	sst s6  }
0xf: {  	[smem:$0x3FB5] =	sst s7  }
0x10: {  	[smem:$0x3FB6] =	sst s8  }
0x11: {  	[smem:$0x3FB7] =	sst s9;
	s0 =	simm.s32 @!p0 $0x0  }
0x12: {  	s1 =	sld [smem:$0x3F9D];
	s0 =	simm.s32 @p0 $0x1  }
0x13: {  	[smem:$0x3FB8] =	sst s0;
	s0 =	simm.s32 @!p1 $0x0  }
0x14: {  	s2 =	sld [smem:$0x3F9C];
	s0 =	simm.s32 @p1 $0x1  }
0x15: {  	[smem:$0x3FB9] =	sst s0;
	s0 =	simm.s32 @!p2 $0x0  }
0x16: {  	s3 =	sld [smem:$0x3FDB];
	s0 =	simm.s32 @p2 $0x1  }
0x17: {  	s4 =	simm.s32 $0x1BF5;
	[smem:$0x3FBB] =	sst s0  }
0x18: {  	s0 =	sld [smem:$0x3F9E];
	_ =	swait.ge [sflag:s4], $0x0  }
0x19: {  	s7 =	sld [smem:$0x3F9F]  }
0x1a: {  	s8 =	sadd.s32 $0xFFFFE003, lr  }
0x1b: {  	s9 =	sadd.s32 $0xFFFFFEF7, lr;
	s5 =	simm.s32 $0xFFFFFFFF;
	p2 =	slt.u32 s8, $0xFFFFF086  }
0x1c: {  	p1 =	slt.u32 s9, $0xF7A;
	s5 =	simm.s32 @!p2 $0x0  }
0x1d: {  	s5 =	simm.s32 @p1 $0x1;
	p0 =	seq.s32 s7, s2  }
0x1e: {  	s7 =	smul.u32 @!p0 $0xF7A, s2;
	p2 =	seq.s32 @!p0 s5, $0x0  }
0x1f: {  	s9 =	smul.u32 $0xF7A, s1;
	s8 =	simm.s32 @!p0 $0x1BF5;
	p2 =	por !p2, p0  }
0x20: {  	[sflag:s8] =	ssyncset.s32 @!p0 $0xFFFFF086;
	s6 =	sadd.s32 @!p0 s3, s7;
	s7 =	simm.s32 @!p0 $0x108  }
0x21: {  	s3 =	sadd.s32 s3, s9;
	s6 =	sadd.s32 @!p0 $0x88, s6;
	s7 =	simm.s32 @p2 $0x1082  }
0x22: {  	[simem:s7], [sflag:s8] =	dma.local @!p0 [hbm:s6], $0xF7A  }
0x23: {  	s9 =	sor.u32 $0xD0000000, s2;
	s6 =	simm.s32 $0x108;
	_ =	swait.ge @!p0 [sflag:s8], $0x0  }
0x24: {  	s3 =	sadd.s32 $0x88, s3;
	s6 =	simm.s32 @!p1 $0x1082;
	[sflag:s4] =	ssyncset.s32 $0xFFFFF086  }
0x25: {  	[simem:s6], [sflag:s4] =	dma.local [hbm:s3], $0xF7A  }
0x26: {  	[smem:$0x3F9F] =	sst s1;
	(tag) =	ssettag s2;
	_ =	strace s9  }
0x27: {  	s1 =	sld [smem:$0x3FAF]  }
0x28: {  	s2 =	sld [smem:$0x3FB0]  }
0x29: {  	s4 =	sld [smem:$0x3FB2]  }
0x2a: {  	p0 =	seq.s32 s5, $0x0;
	s5 =	sld [smem:$0x3FB3]  }
0x2b: {  	s6 =	sld [smem:$0x3FB4]  }
0x2c: {  	s7 =	sld [smem:$0x3FB5]  }
0x2d: {  	s3 =	simm.s32 $0x108;
	s8 =	sld [smem:$0x3FB6]  }
0x2e: {  	s3 =	simm.s32 @!p0 $0x1082;
	s9 =	sld [smem:$0x3FB7]  }
0x2f: {  	lr =	sadd.s32 s0, s3;
	s0 =	sld [smem:$0x3FAE]  }
0x30: {  	s3 =	sld [smem:$0x3FB1]  }
0x31: {  	[smem:$0x3FBA] =	sst s10  }
0x32: {  	s10 =	sld [smem:$0x3FB8];
	_ =	sdelay $0x3  }
0x33: {  	p0 =	seq.s32 s10, $0x1;
	s10 =	sld [smem:$0x3FBA];
	_ =	sdelay $0x3  }
0x34: {  	[smem:$0x3FBA] =	sst s10  }
0x35: {  	s10 =	sld [smem:$0x3FB9];
	_ =	sdelay $0x3  }
0x36: {  	p1 =	seq.s32 s10, $0x1;
	s10 =	sld [smem:$0x3FBA];
	_ =	sdelay $0x3  }
0x37: {  	[smem:$0x3FBA] =	sst s10  }
0x38: {  	s10 =	sld [smem:$0x3FBB]  }
0x39: {  	_ = 	snop;
	(pc) =	sbr.ind lr, $3  }
0x3a: {  	_ = 	snop  }
0x3b: {  	_ = 	snop  }
0x3c: {  	p2 =	seq.s32 s10, $0x1;
	s10 =	sld [smem:$0x3FBA]  }
0x3d: {  	_ =	shalt  }
0x3e: {  	_ =	shalt  }
0x3f: {  	_ =	shalt  }
0x40: {  	_ =	shalt  }
0x41: {  	_ =	shalt  }
0x42: {  	_ =	shalt  }
0x43: {  	_ =	shalt  }
0x44: {  	_ =	shalt  }
0x45: {  	_ =	shalt  }
0x46: {  	_ =	shalt  }
0x47: {  	_ =	shalt  }
0x48: {  	_ =	shalt  }
0x49: {  	_ =	shalt  }
0x4a: {  	_ =	shalt  }
0x4b: {  	_ =	shalt  }
0x4c: {  	_ =	shalt  }
0x4d: {  	_ =	shalt  }
0x4e: {  	_ =	shalt  }
0x4f: {  	_ =	shalt  }
0x50: {  	_ =	shalt  }
0x51: {  	_ =	shalt  }
0x52: {  	_ =	shalt  }
0x53: {  	_ =	shalt  }
0x54: {  	_ =	shalt  }
0x55: {  	_ =	shalt  }
0x56: {  	_ =	shalt  }
0x57: {  	_ =	shalt  }
0x58: {  	_ =	shalt  }
0x59: {  	_ =	shalt  }
0x5a: {  	_ =	shalt  }
0x5b: {  	_ =	shalt  }
0x5c: {  	_ =	shalt  }
0x5d: {  	_ =	shalt  }
0x5e: {  	_ =	shalt  }
0x5f: {  	_ =	shalt  }
0x60: {  	_ =	shalt  }
0x61: {  	_ =	shalt  }
0x62: {  	_ =	shalt  }
0x63: {  	_ =	shalt  }
0x64: {  	_ =	shalt  }
0x65: {  	_ =	shalt  }
0x66: {  	_ =	shalt  }
0x67: {  	_ =	shalt  }
0x68: {  	_ =	shalt  }
0x69: {  	_ =	shalt  }
0x6a: {  	_ =	shalt  }
0x6b: {  	_ =	shalt  }
0x6c: {  	_ =	shalt  }
0x6d: {  	_ =	shalt  }
0x6e: {  	_ =	shalt  }
0x6f: {  	_ =	shalt  }
0x70: {  	_ =	shalt  }
0x71: {  	_ =	shalt  }
0x72: {  	_ =	shalt  }
0x73: {  	_ =	shalt  }
0x74: {  	_ =	shalt  }
0x75: {  	_ =	shalt  }
0x76: {  	_ =	shalt  }
0x77: {  	_ =	shalt  }
0x78: {  	_ =	shalt  }
0x79: {  	_ =	shalt  }
0x7a: {  	_ =	shalt  }
0x7b: {  	_ =	shalt  }
0x7c: {  	_ =	shalt  }
0x7d: {  	_ =	shalt  }
0x7e: {  	_ =	shalt  }
0x7f: {  	_ =	shalt  }
0x80: {  	_ =	shalt  }
0x81: {  	_ =	shalt  }
0x82: {  	_ =	shalt  }
0x83: {  	_ =	shalt  }
0x84: {  	_ =	shalt  }
0x85: {  	_ =	shalt  }
0x86: {  	_ =	shalt  }
0x87: {  	_ =	shalt  }
.Lfunc_end0:
.L_simem_size_0:
called_computation_lowered:
.L_overlay_start_0:
0x88: {  	s2 =	sld [smem:$0x3FD9]  }
0x89: {  	s3 =	sld [smem:$0x3FFE];
	_ =	sdelay $0x1  }
0x8a: {  	s1 =	srdreg.scid  }
0x8b: {  	s0 =	sand.u32 $0x1, s1  }
0x8c: {  	s17 =	sshll.u32 s0, $0xA;
	s2 =	sadd.s32 s3, s2  }
0x8d: {  	s2 =	sadd.s32 s2, s17  }
0x8e: {  	[smem:$0x3FC6] =	sst s2  }
0x8f: {  	_ = 	snop  }
0x90: {  	s2 =	sld [smem:$0x3FC9]  }
0x91: {  	s18 =	sld [smem:$0x3FD0];
	(tm) =	ssettm $0x1  }
0x92: {  	s4 =	sld [smem:$0x3FFB];
	_ =	sdelay $0x3  }
0x93: {  	_ =	strace s4  }
0x94: {  	s4 =	sld [smem:$0x3FFC];
	_ =	sdelay $0x3  }
0x95: {  	_ =	strace s4  }
0x96: {  	s4 =	sld [smem:$0x3FFD];
	_ =	sdelay $0x3  }
0x97: {  	_ =	strace s4  }
0x98: {  	_ =	strace $0x8FFFFFFF  }
0x99: {  	s19 =	sld [smem:$0x3FDB];
	_ =	sdelay $0x1  }
0x9a: {  	s5 =	simm.s32 $_scs_section_size  }
0x9b: {  	s6 =	simm.s32 $_size__tile_overlayer_lowered;
	s7 =	simm.s32 $_tile_overlayer_lowered  }
0x9c: {  	s22 =	simm.s32 $0x1BFF;
	s21 =	sshll.u32 s7, $0x1;
	s4 =	sadd.s32 s5, s19  }
0x9d: {  	s8 =	simm.s32 $0x0;
	s20 =	sshll.u32 s6, $0x1;
	s6 =	sadd.s32 s21, s4  }
0x9e: {  	[timem:s8], [sflag:s22] =	dma.local [hbm:s6], s20  }
0x9f: {  	_ =	swait.ge [sflag:s22], s20  }
0xa0: {  	s5 =	ssub.s32 $0x0, s20;
	[sflag:s22] =	ssyncset.done $0x0  }
0xa1: {  	[sflag:s22] =	ssyncadd.s32 s5;
	_ =	sdelay $0x1  }
0xa2: {  	s23 =	simm.s32 $0x1B8B  }
0xa3: {  	_ =	swait.ge [sflag:s23], $0x1  }
0xa4: {  	[sflag:s23] =	ssyncset.done $0x0  }
0xa5: {  	s25 =	simm.s32 $0x1B8E;
	s24 =	sld [smem:$0x3FFE];
	[sflag:s23] =	ssyncadd.s32 $0xFFFFFFFF  }
0xa6: {  	s26 =	simm.s32 $execute0_lowered;
	[smem:$0x3FD2] =	sst s25  }
0xa7: {  	s6 =	sshll.u32 s26, $0x1;
	_ =	strace $0x80000046;
	[dreg:$0x1] =	wrdreg $0xFFFFFFFF  }
0xa8: {  	s28 =	simm.s32 $_size_execute0_lowered;
	s4 =	sadd.s32 s4, s6;
	[dreg:$0x0] =	wrdreg $0x0  }
0xa9: {  	s6 =	sshll.u32 s28, $0x1;
	[dreg:$0x2] =	wrdreg s4  }
0xaa: {  	[dreg:$0x3] =	wrdreg s6  }
0xab: {  	[dreg:$0x4] =	wrdreg $0xC0  }
0xac: {  	_ =	task [dreg:s8], $0x5FFFF  }
0xad: {  	[dreg:$0x1] =	wrdreg $0xFFFFFFFF  }
0xae: {  	[dreg:$0x0] =	wrdreg $0x60  }
0xaf: {  	[dreg:$0x2] =	wrdreg s2  }
0xb0: {  	[dreg:$0x3] =	wrdreg s24  }
0xb1: {  	[dreg:$0x4] =	wrdreg s18  }
0xb2: {  	[dreg:$0x5] =	wrdreg $0x9  }
0xb3: {  	_ =	task.clear_ibuf [dreg:s8], $0x6FFFF;
	_ =	strace $0x90000046  }
0xb4: {  	s29 =	simm.s32 $0x9;
	_ =	strace $0x80000048  }
0xb5: {  	_ =	swait.ge [sflag:s29], $0x1  }
0xb6: {  	[sflag:s29] =	ssyncadd.s32 $0xFFFFFFFF  }
0xb7: {  	_ =	strace $0x90000048  }
0xb8: {  	_ =	sfence  }
0xb9: {  	s30 =	sld [smem:$0x0];
	_ =	sdelay $0x2  }
0xba: {  	s31 =	sshll.u32 s1, $0xD;
	s1 =	sshrl.u32 s1, $0x2  }
0xbb: {  	s3 =	sand.u32 $0x4000, s31;
	s1 =	sadd.s32 s1, s30  }
0xbc: {  	s0 =	sor.u32 s3, s0;
	s1 =	sshll.u32 s1, $0x11  }
0xbd: {  	s0 =	sor.u32 s1, s0  }
0xbe: {  	s0 =	sadd.s32 $0x8F2B, s0  }
0xbf: {  	[sflag:s0] =	ssyncadd.remote.s32 $0x1  }
0xc0: {  	_ =	sfence.sel $0xFFFF  }
0xc1: {  	[dreg:$0x0] =	wrdreg $0xFFFFFFFF;
	(pc) =	sbr.abs _section_cstart, $3  }
0xc2: {  	[dreg:$0x1] =	wrdreg $0xFFFFFFFF  }
0xc3: {  	_ =	task.clear_ibuf [dreg:s8], $0x2FFFF;
	_ =	strace $0x9FFFFFFF  }
0xc4: {  	(tm) =	ssettm $0x7FFFFFFF  }
0xc5: {  	_ =	shalt  }
tec
execute0_lowered:
.L_overlay_start_1:
0x0: {  	(tag) =	ssettag $0x1  }
0x1: {  	s0 =	rddreg [dreg:$0x0]  }
0x2: {  	s1 =	rddreg [dreg:$0x1]  }
0x3: {  	s10 =	rddreg [dreg:$0x2];
	s2 =	simm.s32 $0x0  }
0x4: {  	s3 =	srdreg.scid;
	s4 =	stileid.u32;
	s13 =	simm.s32 $0x480  }
0x5: {  	s14 =	simm.s32 $0x5;
	s15 =	simm.s32 $0x1;
	s16 =	simm.s32 $0x4480  }
0x6: {  	s17 =	simm.s32 $0x8480;
	s18 =	simm.s32 $0x2;
	s19 =	simm.s32 $0x400  }
0x7: {  	v0 =	vlaneseq.u32;
	s20 =	simm.s32 $0x20000;
	s21 =	simm.s32 $0x13480;
	s22 =	simm.s32 $0x13880  }
0x8: {  	s23 =	simm.s32 $0x1E880;
	s24 =	simm.s32 $0x3;
	s25 =	simm.s32 $0x4;
	v1 =	vor.u32 $0x10, v0  }
0x9: {  	s26 =	simm.s32 $0x0;
	[smem:$0x7FF] =	sst s2;
	s3 =	sand.u32 $0x1, s3;
	v2 =	vor.u32 $0x20, v0;
	v3 =	vor.u32 $0x30, v0;
	v4 =	vor.u32 $0x40, v0  }
0xa: {  	s1 =	sadd.s32 $0x400, s1;
	s6 =	sadd.s32 $0x800, s0;
	s7 =	sadd.s32 $0x1000, s0;
	v5 =	vor.u32 $0x50, v0;
	v6 =	vor.u32 $0x60, v0;
	v7 =	vor.u32 $0x70, v0  }
0xb: {  	s4 =	sshll.u32 s4, $0x1;
	s8 =	sadd.s32 $0x2000, s0;
	v8 =	vor.u32 $0x80, v0;
	v9 =	vor.u32 $0x90, v0;
	v10 =	vor.u32 $0xA0, v0;
	_ =	strace $0x80000047  }
0xc: {  	v11 =	vor.u32 $0xB0, v0;
	v12 =	vor.u32 $0xC0, v0;
	v13 =	vor.u32 $0xD0, v0;
	s5 =	ssub.s32 $0x2, s3;
	s9 =	sor.u32 s3, s4;
	[dreg:$0x4] =	wrdreg s1  }
0xd: {  	v14 =	vor.u32 $0xE0, v0;
	v15 =	vor.u32 $0xF0, v0;
	v16 =	vor.u32 $0x100, v0;
	s31 =	sshrl.u32 s5, $0x1;
	s4 =	sshll.u32 s9, $0xF;
	s11 =	sshll.u32 s9, $0x9  }
0xe: {  	v17 =	vor.u32 $0x110, v0;
	v18 =	vor.u32 $0x120, v0;
	v19 =	vor.u32 $0x130, v0;
	s9 =	sadd.s32 $0x1800, s0;
	s1 =	ssub.s32 s5, s31;
	s5 =	sadd.s32 s0, s4  }
0xf: {  	v20 =	vor.u32 $0x140, v0;
	v21 =	vor.u32 $0x150, v0;
	v22 =	vadd.s32 $0x156, v0;
	s10 =	sadd.s32 s10, s11;
	s11 =	sadd.s32 s4, s8;
	s12 =	smax.u32 s1, $0x1  }
.LBB2_1:
0x10: {  	[tilespmem:s13], [sflag:$0x1] =	stream.linear.gather [hbm4b:s5+s2], $0x4000, $0x38;
	[tilespmem:$0x1EC80] =	vst v63  }
0x11: {  	s0 =	rddreg [dreg:$0x4]  }
0x12: {  	[tilespmem:s2], [sflag:$0x5] =	stream.linear.gather [hbm4b:s0+s2], $0x180, $0x38;
	[tilespmem:$0x1EC80] =	vst v63  }
0x13: {  	_ =	swait.ge [sflag:s14], $0x180  }
0x14: {  	[sflag:s14] =	ssyncset.done $0x0  }
0x15: {  	[sflag:s14] =	ssyncadd.s32 $0xFFFFFE80  }
0x16: {  	v23 =	vld [tilespmem:$0x0]  }
0x17: {  	v26 =	vld [tilespmem:$0x30]  }
0x18: {  	v30 =	vld [tilespmem:$0x50];
	_ =	sdelay $0x1  }
0x19: {  	v54 =	vld [tilespmem:$0x60]  }
0x1a: {  	[tilespmem:$0x300] =	vst v0;
	v27 =	vshll.u32 v23, $0x3  }
0x1b: {  	v58 =	vld [tilespmem:$0x80];
	[tilespmem:$0x310] =	vst v1;
	v23 =	vand.u32 $0x7F, v23;
	v27 =	vand.u32 $0xFFFFFC00, v27  }
0x1c: {  	v61 =	vld [tilespmem:$0x90];
	[tilespmem:$0x320] =	vst v2;
	v31 =	vshll.u32 v26, $0x3;
	v60 =	vshll.u32 v30, $0x3;
	v23 =	vor.u32 v23, v27  }
0x1d: {  	v63 =	vand.u32 $0x7F, v30;
	v55 =	vand.u32 $0xFFFFFC00, v31;
	[tilespmem:$0x180] =	vst v23;
	v23 =	vand.u32 $0x7F, v26  }
0x1e: {  	[tilespmem:$0x330] =	vst v3;
	v33 =	vshll.u32 v54, $0x3;
	v62 =	vand.u32 $0xFFFFFC00, v60;
	v23 =	vor.u32 v23, v55  }
0x1f: {  	v38 =	vld [tilespmem:$0xA0];
	v36 =	vand.u32 $0x7F, v54;
	v34 =	vand.u32 $0xFFFFFC00, v33;
	[tilespmem:$0x1B0] =	vst v23;
	v23 =	vor.u32 v63, v62  }
0x20: {  	v24 =	vld [tilespmem:$0x10];
	v40 =	vshll.u32 v58, $0x3;
	[tilespmem:$0x1D0] =	vst v23;
	v23 =	vor.u32 v36, v34  }
0x21: {  	v43 =	vld [tilespmem:$0xB0];
	v41 =	vand.u32 $0x7F, v58;
	v42 =	vshll.u32 v61, $0x3;
	[tilespmem:$0x1E0] =	vst v23;
	v23 =	vand.u32 $0xFFFFFC00, v40  }
0x22: {  	[tilespmem:$0x340] =	vst v4;
	v45 =	vand.u32 $0x7F, v61;
	v44 =	vand.u32 $0xFFFFFC00, v42;
	v23 =	vor.u32 v41, v23  }
0x23: {  	v25 =	vld [tilespmem:$0x20];
	[tilespmem:$0x200] =	vst v23;
	v23 =	vor.u32 v45, v44  }
0x24: {  	v46 =	vld [tilespmem:$0xC0];
	[tilespmem:$0x210] =	vst v23;
	v23 =	vshll.u32 v38, $0x3  }
0x25: {  	v32 =	vld [tilespmem:$0x70];
	[tilespmem:$0x350] =	vst v5;
	v47 =	vand.u32 $0x7F, v38;
	v23 =	vand.u32 $0xFFFFFC00, v23  }
0x26: {  	[tilespmem:$0x360] =	vst v6;
	v29 =	vshll.u32 v24, $0x3;
	v48 =	vshll.u32 v43, $0x3;
	v23 =	vor.u32 v47, v23  }
0x27: {  	v50 =	vld [tilespmem:$0xD0];
	v24 =	vand.u32 $0x7F, v24;
	v49 =	vand.u32 $0x7F, v43;
	[tilespmem:$0x220] =	vst v23;
	v23 =	vand.u32 $0xFFFFFC00, v48  }
0x28: {  	[tilespmem:$0x370] =	vst v7;
	v53 =	vshll.u32 v25, $0x3;
	v29 =	vand.u32 $0xFFFFFC00, v29;
	v23 =	vor.u32 v49, v23  }
0x29: {  	v51 =	vld [tilespmem:$0xE0];
	v25 =	vand.u32 $0x7F, v25;
	v24 =	vor.u32 v24, v29;
	[tilespmem:$0x230] =	vst v23;
	v23 =	vshll.u32 v46, $0x3  }
0x2a: {  	v35 =	vshll.u32 v32, $0x3;
	[tilespmem:$0x190] =	vst v24;
	v24 =	vand.u32 $0x7F, v46;
	v23 =	vand.u32 $0xFFFFFC00, v23  }
0x2b: {  	[tilespmem:$0x380] =	vst v8;
	v37 =	vand.u32 $0x7F, v32;
	v27 =	vand.u32 $0xFFFFFC00, v53;
	v23 =	vor.u32 v24, v23  }
0x2c: {  	v52 =	vld [tilespmem:$0xF0];
	v25 =	vor.u32 v25, v27;
	v26 =	vand.u32 $0xFFFFFC00, v35;
	[tilespmem:$0x240] =	vst v23;
	v23 =	vshll.u32 v50, $0x3  }
0x2d: {  	[tilespmem:$0x390] =	vst v9;
	v39 =	vor.u32 v37, v26;
	v26 =	vand.u32 $0x7F, v50;
	v23 =	vand.u32 $0xFFFFFC00, v23  }
0x2e: {  	v28 =	vld [tilespmem:$0x40];
	v53 =	vshll.u32 v51, $0x3;
	[tilespmem:$0x1A0] =	vst v25;
	v23 =	vor.u32 v26, v23  }
0x2f: {  	v54 =	vld [tilespmem:$0x100];
	v25 =	vand.u32 $0x7F, v51;
	[tilespmem:$0x250] =	vst v23;
	v23 =	vand.u32 $0xFFFFFC00, v53  }
0x30: {  	[tilespmem:$0x3A0] =	vst v10;
	v23 =	vor.u32 v25, v23  }
0x31: {  	v55 =	vld [tilespmem:$0x110];
	[tilespmem:$0x260] =	vst v23;
	v23 =	vshll.u32 v52, $0x3  }
0x32: {  	[tilespmem:$0x3B0] =	vst v11;
	v24 =	vand.u32 $0x7F, v52;
	v23 =	vand.u32 $0xFFFFFC00, v23  }
0x33: {  	[tilespmem:$0x3C0] =	vst v12;
	v56 =	vshll.u32 v28, $0x3;
	v23 =	vor.u32 v24, v23  }
0x34: {  	v57 =	vand.u32 $0xFFFFFC00, v56;
	v56 =	vld [tilespmem:$0x120];
	[tilespmem:$0x270] =	vst v23;
	v23 =	vshll.u32 v54, $0x3  }
0x35: {  	[tilespmem:$0x3D0] =	vst v13;
	v28 =	vand.u32 $0x7F, v28;
	v26 =	vand.u32 $0x7F, v54;
	v23 =	vand.u32 $0xFFFFFC00, v23  }
0x36: {  	[tilespmem:$0x3E0] =	vst v14;
	v59 =	vor.u32 v28, v57;
	v57 =	vshll.u32 v55, $0x3;
	v23 =	vor.u32 v26, v23  }
0x37: {  	v58 =	vld [tilespmem:$0x130];
	v25 =	vand.u32 $0x7F, v55;
	[tilespmem:$0x280] =	vst v23;
	v23 =	vand.u32 $0xFFFFFC00, v57  }
0x38: {  	[tilespmem:$0x1C0] =	vst v59;
	v23 =	vor.u32 v25, v23  }
0x39: {  	v59 =	vld [tilespmem:$0x140];
	[tilespmem:$0x290] =	vst v23;
	v23 =	vshll.u32 v56, $0x3  }
0x3a: {  	[tilespmem:$0x3F0] =	vst v15;
	v24 =	vand.u32 $0x7F, v56;
	v23 =	vand.u32 $0xFFFFFC00, v23  }
0x3b: {  	[tilespmem:$0x400] =	vst v16;
	v23 =	vor.u32 v24, v23  }
0x3c: {  	v60 =	vld [tilespmem:$0x150];
	[tilespmem:$0x2A0] =	vst v23;
	v23 =	vshll.u32 v58, $0x3  }
0x3d: {  	[tilespmem:$0x410] =	vst v17;
	v26 =	vand.u32 $0x7F, v58;
	v23 =	vand.u32 $0xFFFFFC00, v23  }
0x3e: {  	[tilespmem:$0x420] =	vst v18;
	v61 =	vshll.u32 v59, $0x3;
	v23 =	vor.u32 v26, v23  }
0x3f: {  	v62 =	vld [tilespmem:$0x160];
	v25 =	vand.u32 $0x7F, v59;
	[tilespmem:$0x2B0] =	vst v23;
	v23 =	vand.u32 $0xFFFFFC00, v61  }
0x40: {  	[tilespmem:$0x430] =	vst v19;
	v23 =	vor.u32 v25, v23  }
0x41: {  	[tilespmem:$0x2C0] =	vst v23;
	v23 =	vshll.u32 v60, $0x3  }
0x42: {  	[tilespmem:$0x440] =	vst v20;
	v24 =	vand.u32 $0x7F, v60;
	v23 =	vand.u32 $0xFFFFFC00, v23  }
0x43: {  	[tilespmem:$0x450] =	vst v21;
	v23 =	vor.u32 v24, v23  }
0x44: {  	[tilespmem:$0x2D0] =	vst v23;
	v23 =	vshll.u32 v62, $0x3  }
0x45: {  	[tilespmem:$0x460] =	vst v22;
	v63 =	vand.u32 $0x7F, v62;
	v23 =	vand.u32 $0xFFFFFC00, v23  }
0x46: {  	[tilespmem:$0x1F0] =	vst v39;
	v23 =	vor.u32 v63, v23  }
0x47: {  	p1 =	por $0x1, $0x1;
	s28 =	simm.s32 $0x0;
	[tilespmem:$0x2E0] =	vst v23  }
.LBB2_2:
0x48: {  	s0 =	sshll.u32 s28, $0xE;
	_ =	swait.ge [sflag:s15], $0x4000  }
0x49: {  	[sflag:s15] =	ssyncset.done $0x0;
	s30 =	sor.u32 s4, s0  }
0x4a: {  	[sflag:s15] =	ssyncadd.s32 $0xFFFFC000;
	s0 =	sadd.s32 s30, s6  }
0x4b: {  	[tilespmem:s16], [sflag:$0x2] =	stream.linear.gather [hbm4b:s0+s2], $0x4000, $0x38;
	[tilespmem:$0x1EC80] =	vst v63  }
0x4c: {  	s0 =	simm.s32 @!p1 $0x3  }
0x4d: {  	_ =	swait.ge @!p1 [sflag:s0], $0xB300  }
0x4e: {  	p0 =	por p1, p1;
	s29 =	sshll.u32 s28, $0x1;
	[sflag:s0] =	ssyncset.done @!p1 $0x0  }
0x4f: {  	s31 =	simm.s32 $0x0;
	[sflag:s0] =	ssyncadd.s32 @!p1 $0xFFFF4D00;
	s0 =	simm.s32 $0x0  }
.LBB2_3:
0x50: {  	s1 =	sshll.u32 s0, $0x4  }
0x51: {  	v31 =	vadd.s32 s31, v0;
	v23 =	vld [tilespmem:s1+$0x180]  }
0x52: {  	s3 =	simm.s32 $0x1;
	v24 =	vld [tilespmem:s1+$0x300];
	v25 =	vshll.u32 v31, $0x9;
	v26 =	vshll.u32 v31, $0x7  }
0x53: {  	v35 =	vadd.s32 s3, v0;
	v33 =	vand.u32 $0xF, v31;
	v25 =	vand.u32 $0x1000, v25  }
0x54: {  	v26 =	vand.u32 $0x380, v26;
	v27 =	vshll.u32 v35, $0x9;
	v28 =	vshll.u32 v35, $0x7  }
0x55: {  	v25 =	vor.u32 v26, v25;
	v26 =	vand.u32 $0x1000, v27;
	v27 =	vand.u32 $0x380, v28  }
0x56: {  	s3 =	simm.s32 $0x2;
	v34 =	vand.u32 $0xF, v35;
	v26 =	vor.u32 v27, v26;
	v28 =	vadd.s32 v23, v25  }
0x57: {  	v24 =	vshll.u32 v24, $0x7;
	v25 =	vadd.s32 s3, v0;
	v29 =	vadd.s32 v23, v26  }
0x58: {  	v26 =	vand.u32 $0x7F, v23;
	v27 =	vshll.u32 v25, $0x9;
	v30 =	vshll.u32 v25, $0x7  }
0x59: {  	s3 =	simm.s32 $0x3;
	v58 =	vor.u32 v24, v33;
	v38 =	vor.u32 v24, v34;
	v32 =	vand.u32 $0x1000, v27  }
0x5a: {  	v30 =	vand.u32 $0x380, v30;
	v27 =	vor.u32 $0x2000, v26;
	v26 =	vadd.s32 s3, v0  }
0x5b: {  	v30 =	vor.u32 v30, v32;
	v60 =	vshll.u32 v26, $0x7;
	v59 =	vld.idx.msk [tilespmem:v28+s13+$0x0], $0xffff;
	v28 =	vand.u32 $0xFFFFFF80, v28  }
0x5c: {  	v37 =	vld.idx.msk [tilespmem:v29+s13+$0x0], $0xffff;
	v36 =	vadd.s32 v27, v28;
	v28 =	vand.u32 $0xFFFFFF80, v29;
	v29 =	vshll.u32 v26, $0x9  }
0x5d: {  	v34 =	vand.u32 $0x380, v60;
	v40 =	vadd.s32 v23, v30;
	v29 =	vand.u32 $0x1000, v29  }
0x5e: {  	s3 =	simm.s32 $0x4;
	v39 =	vadd.s32 v27, v28;
	v30 =	vor.u32 v34, v29  }
0x5f: {  	v63 =	vand.u32 $0xF, v25;
	v29 =	vadd.s32 s3, v0;
	v34 =	vadd.s32 v23, v30  }
0x60: {  	v33 =	vor.u32 v24, v63;
	v28 =	vor.u32 $0x10, v24;
	v30 =	vshll.u32 v29, $0x9;
	[tilespmem:v58+s17+$0x0] =	vst.idx.msk $0xffff, v59  }
0x61: {  	v32 =	vor.u32 v31, v28;
	v41 =	vshll.u32 v29, $0x7;
	v61 =	vand.u32 $0x1000, v30;
	v30 =	vld.idx.msk [tilespmem:v36+s13+$0x0], $0xffff  }
0x62: {  	s3 =	simm.s32 $0x5;
	v35 =	vor.u32 v35, v28;
	v62 =	vand.u32 $0x380, v41;
	[tilespmem:v38+s17+$0x0] =	vst.idx.msk $0xffff, v37;
	v36 =	vld.idx.msk [tilespmem:v40+s13+$0x0], $0xffff  }
0x63: {  	s1 =	simm.s32 $0x6;
	v37 =	vadd.s32 s3, v0;
	v38 =	vor.u32 v62, v61;
	v31 =	vld.idx.msk [tilespmem:v39+s13+$0x0], $0xffff;
	v39 =	vand.u32 $0xFFFFFF80, v40  }
.LBB2_4:
0x64: {  	p1 =	slt.u32 s1, $0xE;
	v40 =	vshll.u32 v37, $0x9;
	v39 =	vadd.s32 v27, v39;
	v41 =	vand.u32 $0xF, v26;
	v42 =	vld.idx.msk [tilespmem:v34+s13+$0x0], $0xffff;
	v43 =	vmovc v26;
	v26 =	vmovc v37  }
0x65: {  	v34 =	vand.u32 $0xFFFFFF80, v34;
	v37 =	vshll.u32 v26, $0x7;
	v41 =	vor.u32 v24, v41  }
0x66: {  	v40 =	vand.u32 $0x1000, v40;
	v44 =	vadd.s32 v27, v34;
	v37 =	vand.u32 $0x380, v37  }
0x67: {  	v45 =	vadd.s32 v23, v38;
	v34 =	vor.u32 v37, v40;
	[tilespmem:v32+s17+$0x0] =	vst.idx.msk $0xffff, v30  }
.Ltmp0:
0x68: {  	v40 =	vadd.s32 s1, v0;
	v34 =	vadd.s32 v23, v34;
	[tilespmem:v35+s17+$0x0] =	vst.idx.msk $0xffff, v31;
	(pc) =	sbr.rel @p1 .LBB2_4-.Ltmp0, $4  }
0x69: {  	v30 =	vshll.u32 v40, $0x9;
	v31 =	vshll.u32 v40, $0x7;
	[tilespmem:v33+s17+$0x0] =	vst.idx.msk $0xffff, v36  }
0x6a: {  	v32 =	vand.u32 $0x1000, v30;
	v31 =	vand.u32 $0x380, v31;
	v33 =	vand.u32 $0xF, v29;
	v30 =	vld.idx.msk [tilespmem:v39+s13+$0x0], $0xffff;
	[tilespmem:v41+s17+$0x0] =	vst.idx.msk $0xffff, v42  }
0x6b: {  	s3 =	sadd.s32 $0x1, s1;
	v38 =	vor.u32 v31, v32;
	v33 =	vor.u32 v24, v33;
	v32 =	vor.u32 v25, v28;
	v31 =	vld.idx.msk [tilespmem:v44+s13+$0x0], $0xffff  }
0x6c: {  	v37 =	vadd.s32 s3, v0;
	s1 =	sadd.s32 $0x2, s1;
	v35 =	vor.u32 v43, v28;
	v39 =	vand.u32 $0xFFFFFF80, v45;
	v25 =	vmovc v29;
	v29 =	vmovc v40;
	v36 =	vld.idx.msk [tilespmem:v45+s13+$0x0], $0xffff  }
0x6d: {  	v40 =	vshll.u32 v37, $0x9;
	v41 =	vshll.u32 v37, $0x7  }
0x6e: {  	v40 =	vand.u32 $0x1000, v40;
	v41 =	vand.u32 $0x380, v41  }
0x6f: {  	v38 =	vadd.s32 v23, v38;
	v40 =	vor.u32 v41, v40  }
0x70: {  	v23 =	vadd.s32 v23, v40;
	_ =	sdelay $0x1  }
0x71: {  	v39 =	vadd.s32 v27, v39;
	v53 =	vand.u32 $0xF, v26;
	v54 =	vand.u32 $0xFFFFFF80, v34  }
0x72: {  	v55 =	vld.idx.msk [tilespmem:v34+s13+$0x0], $0xffff;
	v42 =	vand.u32 $0xF, v29;
	v44 =	vand.u32 $0xF, v37;
	v40 =	vor.u32 v24, v53  }
0x73: {  	v42 =	vor.u32 v24, v42;
	v41 =	vadd.s32 v27, v54;
	v43 =	vld.idx.msk [tilespmem:v38+s13+$0x0], $0xffff;
	v38 =	vand.u32 $0xFFFFFF80, v38  }
0x74: {  	v56 =	vor.u32 v24, v44;
	v38 =	vadd.s32 v27, v38;
	v57 =	vld.idx.msk [tilespmem:v23+s13+$0x0], $0xffff;
	v23 =	vand.u32 $0xFFFFFF80, v23  }
0x75: {  	v23 =	vadd.s32 v27, v23  }
0x76: {  	[tilespmem:v33+s17+$0x0] =	vst.idx.msk $0xffff, v36  }
0x77: {  	v25 =	vor.u32 v25, v28;
	v58 =	vld.idx.msk [tilespmem:v39+s13+$0x0], $0xffff;
	[tilespmem:v40+s17+$0x0] =	vst.idx.msk $0xffff, v55  }
0x78: {  	v60 =	vor.u32 v26, v28;
	v59 =	vld.idx.msk [tilespmem:v41+s13+$0x0], $0xffff;
	[tilespmem:v42+s17+$0x0] =	vst.idx.msk $0xffff, v43  }
0x79: {  	v62 =	vor.u32 v29, v28;
	s0 =	sadd.s32 $0x1, s0;
	v61 =	vld.idx.msk [tilespmem:v38+s13+$0x0], $0xffff;
	[tilespmem:v56+s17+$0x0] =	vst.idx.msk $0xffff, v57  }
0x7a: {  	v63 =	vor.u32 v37, v28;
	p1 =	sne.s32 s0, $0x17;
	[tilespmem:v32+s17+$0x0] =	vst.idx.msk $0xffff, v30;
	v23 =	vld.idx.msk [tilespmem:v23+s13+$0x0], $0xffff  }
.Ltmp1:
0x7b: {  	[tilespmem:v35+s17+$0x0] =	vst.idx.msk $0xffff, v31;
	(pc) =	sbr.rel @p1 .LBB2_3-.Ltmp1, $4  }
0x7c: {  	[tilespmem:v25+s17+$0x0] =	vst.idx.msk $0xffff, v58  }
0x7d: {  	[tilespmem:v60+s17+$0x0] =	vst.idx.msk $0xffff, v59  }
0x7e: {  	[tilespmem:v62+s17+$0x0] =	vst.idx.msk $0xffff, v61  }
0x7f: {  	[tilespmem:v63+s17+$0x0] =	vst.idx.msk $0xffff, v23  }
0x80: {  	_ =	swait.ge [sflag:s18], $0x4000  }
0x81: {  	[sflag:s18] =	ssyncset.done $0x0  }
0x82: {  	s0 =	sadd.s32 s30, s7;
	s31 =	simm.s32 $0x0;
	[sflag:s18] =	ssyncadd.s32 $0xFFFFC000  }
0x83: {  	[tilespmem:s13], [sflag:$0x1] =	stream.linear.gather [hbm4b:s0+s31], $0x4000, $0x38;
	[tilespmem:$0x1EC80] =	vst v63  }
0x84: {  	s0 =	simm.s32 $0x0  }
.LBB2_7:
0x85: {  	s1 =	sshll.u32 s0, $0x4  }
0x86: {  	v31 =	vadd.s32 s31, v0;
	v23 =	vld [tilespmem:s1+$0x180]  }
0x87: {  	s3 =	simm.s32 $0x1;
	v24 =	vld [tilespmem:s1+$0x300];
	v25 =	vshll.u32 v31, $0x9  }
0x88: {  	v26 =	vshll.u32 v31, $0x7;
	v35 =	vadd.s32 s3, v0;
	v25 =	vand.u32 $0x1000, v25  }
0x89: {  	v26 =	vand.u32 $0x380, v26;
	v27 =	vshll.u32 v35, $0x9;
	v28 =	vshll.u32 v35, $0x7  }
0x8a: {  	v25 =	vor.u32 v26, v25;
	v26 =	vand.u32 $0x1000, v27;
	v27 =	vand.u32 $0x380, v28  }
0x8b: {  	s3 =	simm.s32 $0x2;
	v34 =	vand.u32 $0xF, v31;
	v59 =	vand.u32 $0xF, v35;
	v26 =	vor.u32 v27, v26  }
0x8c: {  	v28 =	vshll.u32 v24, $0x7;
	v29 =	vadd.s32 v23, v25;
	v25 =	vadd.s32 s3, v0  }
0x8d: {  	v30 =	vadd.s32 v23, v26;
	v26 =	vand.u32 $0x7F, v23;
	v27 =	vshll.u32 v25, $0x9  }
0x8e: {  	v24 =	vor.u32 $0x20, v28;
	v32 =	vshll.u32 v25, $0x7;
	v33 =	vand.u32 $0x1000, v27  }
0x8f: {  	s3 =	simm.s32 $0x3;
	v32 =	vand.u32 $0x380, v32;
	v27 =	vor.u32 $0x2000, v26;
	v58 =	vor.u32 v34, v24  }
0x90: {  	v26 =	vadd.s32 s3, v0;
	v39 =	vor.u32 v59, v24;
	v32 =	vor.u32 v32, v33  }
0x91: {  	v60 =	vshll.u32 v26, $0x7;
	v41 =	vadd.s32 v23, v32;
	v36 =	vld.idx.msk [tilespmem:v29+s16+$0x0], $0xffff;
	v29 =	vand.u32 $0xFFFFFF80, v29  }
0x92: {  	v38 =	vld.idx.msk [tilespmem:v30+s16+$0x0], $0xffff;
	v37 =	vadd.s32 v27, v29;
	v29 =	vand.u32 $0xFFFFFF80, v30;
	v30 =	vshll.u32 v26, $0x9  }
0x93: {  	v40 =	vadd.s32 v27, v29;
	v29 =	vand.u32 $0x1000, v30;
	v30 =	vand.u32 $0x380, v60  }
0x94: {  	s3 =	simm.s32 $0x4;
	v30 =	vor.u32 v30, v29  }
0x95: {  	v28 =	vor.u32 $0x30, v28;
	v29 =	vadd.s32 s3, v0;
	v34 =	vadd.s32 v23, v30  }
0x96: {  	v63 =	vand.u32 $0xF, v25;
	v30 =	vshll.u32 v29, $0x9;
	v61 =	vshll.u32 v29, $0x7  }
0x97: {  	v35 =	vor.u32 v35, v28;
	[tilespmem:v58+s17+$0x0] =	vst.idx.msk $0xffff, v36;
	v62 =	vand.u32 $0x1000, v30;
	v32 =	vand.u32 $0x380, v61;
	v36 =	vld.idx.msk [tilespmem:v41+s16+$0x0], $0xffff  }
0x98: {  	s3 =	simm.s32 $0x5;
	[tilespmem:v39+s17+$0x0] =	vst.idx.msk $0xffff, v38;
	v30 =	vld.idx.msk [tilespmem:v37+s16+$0x0], $0xffff;
	v38 =	vor.u32 v32, v62;
	v32 =	vor.u32 v31, v28  }
0x99: {  	s1 =	simm.s32 $0x6;
	v33 =	vor.u32 v63, v24;
	v39 =	vand.u32 $0xFFFFFF80, v41;
	v37 =	vadd.s32 s3, v0;
	v31 =	vld.idx.msk [tilespmem:v40+s16+$0x0], $0xffff  }
.LBB2_8:
0x9a: {  	p1 =	slt.u32 s1, $0xE;
	v40 =	vshll.u32 v37, $0x9;
	v39 =	vadd.s32 v27, v39;
	v41 =	vand.u32 $0xF, v26;
	v42 =	vld.idx.msk [tilespmem:v34+s16+$0x0], $0xffff;
	v43 =	vmovc v26;
	v26 =	vmovc v37  }
0x9b: {  	v34 =	vand.u32 $0xFFFFFF80, v34;
	v37 =	vshll.u32 v26, $0x7;
	v41 =	vor.u32 v41, v24  }
0x9c: {  	v40 =	vand.u32 $0x1000, v40;
	v44 =	vadd.s32 v27, v34;
	v37 =	vand.u32 $0x380, v37  }
0x9d: {  	v45 =	vadd.s32 v23, v38;
	v34 =	vor.u32 v37, v40;
	[tilespmem:v32+s17+$0x0] =	vst.idx.msk $0xffff, v30  }
.Ltmp2:
0x9e: {  	v40 =	vadd.s32 s1, v0;
	v34 =	vadd.s32 v23, v34;
	[tilespmem:v35+s17+$0x0] =	vst.idx.msk $0xffff, v31;
	(pc) =	sbr.rel @p1 .LBB2_8-.Ltmp2, $4  }
0x9f: {  	v30 =	vshll.u32 v40, $0x9;
	v31 =	vshll.u32 v40, $0x7;
	[tilespmem:v33+s17+$0x0] =	vst.idx.msk $0xffff, v36  }
0xa0: {  	v32 =	vand.u32 $0x1000, v30;
	v31 =	vand.u32 $0x380, v31;
	v33 =	vand.u32 $0xF, v29;
	v30 =	vld.idx.msk [tilespmem:v39+s16+$0x0], $0xffff;
	[tilespmem:v41+s17+$0x0] =	vst.idx.msk $0xffff, v42  }
0xa1: {  	s3 =	sadd.s32 $0x1, s1;
	v38 =	vor.u32 v31, v32;
	v33 =	vor.u32 v33, v24;
	v32 =	vor.u32 v25, v28;
	v31 =	vld.idx.msk [tilespmem:v44+s16+$0x0], $0xffff  }
0xa2: {  	v37 =	vadd.s32 s3, v0;
	s1 =	sadd.s32 $0x2, s1;
	v35 =	vor.u32 v43, v28;
	v39 =	vand.u32 $0xFFFFFF80, v45;
	v25 =	vmovc v29;
	v29 =	vmovc v40;
	v36 =	vld.idx.msk [tilespmem:v45+s16+$0x0], $0xffff  }
0xa3: {  	v40 =	vshll.u32 v37, $0x9;
	v41 =	vshll.u32 v37, $0x7  }
0xa4: {  	v40 =	vand.u32 $0x1000, v40;
	v41 =	vand.u32 $0x380, v41  }
0xa5: {  	v38 =	vadd.s32 v23, v38;
	v40 =	vor.u32 v41, v40  }
0xa6: {  	v23 =	vadd.s32 v23, v40;
	_ =	sdelay $0x1  }
0xa7: {  	v39 =	vadd.s32 v27, v39;
	v53 =	vand.u32 $0xF, v26;
	v54 =	vand.u32 $0xFFFFFF80, v34  }
0xa8: {  	v55 =	vld.idx.msk [tilespmem:v34+s16+$0x0], $0xffff;
	v42 =	vand.u32 $0xF, v29;
	v44 =	vand.u32 $0xF, v37;
	v40 =	vor.u32 v53, v24  }
0xa9: {  	v42 =	vor.u32 v42, v24;
	v41 =	vadd.s32 v27, v54;
	v43 =	vld.idx.msk [tilespmem:v38+s16+$0x0], $0xffff;
	v38 =	vand.u32 $0xFFFFFF80, v38  }
0xaa: {  	v56 =	vor.u32 v44, v24;
	v38 =	vadd.s32 v27, v38;
	v57 =	vld.idx.msk [tilespmem:v23+s16+$0x0], $0xffff;
	v23 =	vand.u32 $0xFFFFFF80, v23  }
0xab: {  	v23 =	vadd.s32 v27, v23  }
0xac: {  	[tilespmem:v33+s17+$0x0] =	vst.idx.msk $0xffff, v36  }
0xad: {  	v25 =	vor.u32 v25, v28;
	v58 =	vld.idx.msk [tilespmem:v39+s16+$0x0], $0xffff;
	[tilespmem:v40+s17+$0x0] =	vst.idx.msk $0xffff, v55  }
0xae: {  	v60 =	vor.u32 v26, v28;
	v59 =	vld.idx.msk [tilespmem:v41+s16+$0x0], $0xffff;
	[tilespmem:v42+s17+$0x0] =	vst.idx.msk $0xffff, v43  }
0xaf: {  	v62 =	vor.u32 v29, v28;
	s0 =	sadd.s32 $0x1, s0;
	v61 =	vld.idx.msk [tilespmem:v38+s16+$0x0], $0xffff;
	[tilespmem:v56+s17+$0x0] =	vst.idx.msk $0xffff, v57  }
0xb0: {  	v63 =	vor.u32 v37, v28;
	p1 =	sne.s32 s0, $0x17;
	[tilespmem:v32+s17+$0x0] =	vst.idx.msk $0xffff, v30;
	v23 =	vld.idx.msk [tilespmem:v23+s16+$0x0], $0xffff  }
.Ltmp3:
0xb1: {  	[tilespmem:v35+s17+$0x0] =	vst.idx.msk $0xffff, v31;
	(pc) =	sbr.rel @p1 .LBB2_7-.Ltmp3, $4  }
0xb2: {  	[tilespmem:v25+s17+$0x0] =	vst.idx.msk $0xffff, v58  }
0xb3: {  	[tilespmem:v60+s17+$0x0] =	vst.idx.msk $0xffff, v59  }
0xb4: {  	[tilespmem:v62+s17+$0x0] =	vst.idx.msk $0xffff, v61  }
0xb5: {  	[tilespmem:v63+s17+$0x0] =	vst.idx.msk $0xffff, v23  }
0xb6: {  	_ =	swait.ge [sflag:s15], $0x4000  }
0xb7: {  	[sflag:s15] =	ssyncset.done $0x0  }
0xb8: {  	s0 =	sadd.s32 s30, s9;
	s31 =	simm.s32 $0x0;
	[sflag:s15] =	ssyncadd.s32 $0xFFFFC000  }
0xb9: {  	[tilespmem:s16], [sflag:$0x2] =	stream.linear.gather [hbm4b:s0+s31], $0x4000, $0x38;
	[tilespmem:$0x1EC80] =	vst v63  }
0xba: {  	s0 =	simm.s32 $0x0  }
.LBB2_11:
0xbb: {  	s1 =	sshll.u32 s0, $0x4  }
0xbc: {  	v31 =	vadd.s32 s31, v0;
	v23 =	vld [tilespmem:s1+$0x180]  }
0xbd: {  	s3 =	simm.s32 $0x1;
	v24 =	vld [tilespmem:s1+$0x300];
	v25 =	vshll.u32 v31, $0x9  }
0xbe: {  	v26 =	vshll.u32 v31, $0x7;
	v35 =	vadd.s32 s3, v0;
	v25 =	vand.u32 $0x1000, v25  }
0xbf: {  	v26 =	vand.u32 $0x380, v26;
	v27 =	vshll.u32 v35, $0x9;
	v28 =	vshll.u32 v35, $0x7  }
0xc0: {  	v25 =	vor.u32 v26, v25;
	v26 =	vand.u32 $0x1000, v27;
	v27 =	vand.u32 $0x380, v28  }
0xc1: {  	s3 =	simm.s32 $0x2;
	v34 =	vand.u32 $0xF, v31;
	v59 =	vand.u32 $0xF, v35;
	v26 =	vor.u32 v27, v26  }
0xc2: {  	v28 =	vshll.u32 v24, $0x7;
	v29 =	vadd.s32 v23, v25;
	v25 =	vadd.s32 s3, v0  }
0xc3: {  	v30 =	vadd.s32 v23, v26;
	v26 =	vand.u32 $0x7F, v23;
	v27 =	vshll.u32 v25, $0x9  }
0xc4: {  	v24 =	vor.u32 $0x40, v28;
	v32 =	vshll.u32 v25, $0x7;
	v33 =	vand.u32 $0x1000, v27  }
0xc5: {  	s3 =	simm.s32 $0x3;
	v32 =	vand.u32 $0x380, v32;
	v27 =	vor.u32 $0x2000, v26;
	v58 =	vor.u32 v34, v24  }
0xc6: {  	v26 =	vadd.s32 s3, v0;
	v39 =	vor.u32 v59, v24;
	v32 =	vor.u32 v32, v33  }
0xc7: {  	v60 =	vshll.u32 v26, $0x7;
	v41 =	vadd.s32 v23, v32;
	v36 =	vld.idx.msk [tilespmem:v29+s13+$0x0], $0xffff;
	v29 =	vand.u32 $0xFFFFFF80, v29  }
0xc8: {  	v38 =	vld.idx.msk [tilespmem:v30+s13+$0x0], $0xffff;
	v37 =	vadd.s32 v27, v29;
	v29 =	vand.u32 $0xFFFFFF80, v30;
	v30 =	vshll.u32 v26, $0x9  }
0xc9: {  	v40 =	vadd.s32 v27, v29;
	v29 =	vand.u32 $0x1000, v30;
	v30 =	vand.u32 $0x380, v60  }
0xca: {  	s3 =	simm.s32 $0x4;
	v30 =	vor.u32 v30, v29  }
0xcb: {  	v28 =	vor.u32 $0x50, v28;
	v29 =	vadd.s32 s3, v0;
	v34 =	vadd.s32 v23, v30  }
0xcc: {  	v63 =	vand.u32 $0xF, v25;
	v30 =	vshll.u32 v29, $0x9;
	v61 =	vshll.u32 v29, $0x7  }
0xcd: {  	v35 =	vor.u32 v35, v28;
	[tilespmem:v58+s17+$0x0] =	vst.idx.msk $0xffff, v36;
	v62 =	vand.u32 $0x1000, v30;
	v32 =	vand.u32 $0x380, v61;
	v36 =	vld.idx.msk [tilespmem:v41+s13+$0x0], $0xffff  }
0xce: {  	s3 =	simm.s32 $0x5;
	[tilespmem:v39+s17+$0x0] =	vst.idx.msk $0xffff, v38;
	v30 =	vld.idx.msk [tilespmem:v37+s13+$0x0], $0xffff;
	v38 =	vor.u32 v32, v62;
	v32 =	vor.u32 v31, v28  }
0xcf: {  	s1 =	simm.s32 $0x6;
	v33 =	vor.u32 v63, v24;
	v39 =	vand.u32 $0xFFFFFF80, v41;
	v37 =	vadd.s32 s3, v0;
	v31 =	vld.idx.msk [tilespmem:v40+s13+$0x0], $0xffff  }
.LBB2_12:
0xd0: {  	p1 =	slt.u32 s1, $0xE;
	v40 =	vshll.u32 v37, $0x9;
	v39 =	vadd.s32 v27, v39;
	v41 =	vand.u32 $0xF, v26;
	v42 =	vld.idx.msk [tilespmem:v34+s13+$0x0], $0xffff;
	v43 =	vmovc v26;
	v26 =	vmovc v37  }
0xd1: {  	v34 =	vand.u32 $0xFFFFFF80, v34;
	v37 =	vshll.u32 v26, $0x7;
	v41 =	vor.u32 v41, v24  }
0xd2: {  	v40 =	vand.u32 $0x1000, v40;
	v44 =	vadd.s32 v27, v34;
	v37 =	vand.u32 $0x380, v37  }
0xd3: {  	v45 =	vadd.s32 v23, v38;
	v34 =	vor.u32 v37, v40;
	[tilespmem:v32+s17+$0x0] =	vst.idx.msk $0xffff, v30  }
.Ltmp4:
0xd4: {  	v40 =	vadd.s32 s1, v0;
	v34 =	vadd.s32 v23, v34;
	[tilespmem:v35+s17+$0x0] =	vst.idx.msk $0xffff, v31;
	(pc) =	sbr.rel @p1 .LBB2_12-.Ltmp4, $4  }
0xd5: {  	v30 =	vshll.u32 v40, $0x9;
	v31 =	vshll.u32 v40, $0x7;
	[tilespmem:v33+s17+$0x0] =	vst.idx.msk $0xffff, v36  }
0xd6: {  	v32 =	vand.u32 $0x1000, v30;
	v31 =	vand.u32 $0x380, v31;
	v33 =	vand.u32 $0xF, v29;
	v30 =	vld.idx.msk [tilespmem:v39+s13+$0x0], $0xffff;
	[tilespmem:v41+s17+$0x0] =	vst.idx.msk $0xffff, v42  }
0xd7: {  	s3 =	sadd.s32 $0x1, s1;
	v38 =	vor.u32 v31, v32;
	v33 =	vor.u32 v33, v24;
	v32 =	vor.u32 v25, v28;
	v31 =	vld.idx.msk [tilespmem:v44+s13+$0x0], $0xffff  }
0xd8: {  	v37 =	vadd.s32 s3, v0;
	s1 =	sadd.s32 $0x2, s1;
	v35 =	vor.u32 v43, v28;
	v39 =	vand.u32 $0xFFFFFF80, v45;
	v25 =	vmovc v29;
	v29 =	vmovc v40;
	v36 =	vld.idx.msk [tilespmem:v45+s13+$0x0], $0xffff  }
0xd9: {  	v40 =	vshll.u32 v37, $0x9;
	v41 =	vshll.u32 v37, $0x7  }
0xda: {  	v40 =	vand.u32 $0x1000, v40;
	v41 =	vand.u32 $0x380, v41  }
0xdb: {  	v38 =	vadd.s32 v23, v38;
	v40 =	vor.u32 v41, v40  }
0xdc: {  	v23 =	vadd.s32 v23, v40;
	_ =	sdelay $0x1  }
0xdd: {  	v39 =	vadd.s32 v27, v39;
	v53 =	vand.u32 $0xF, v26;
	v54 =	vand.u32 $0xFFFFFF80, v34  }
0xde: {  	v55 =	vld.idx.msk [tilespmem:v34+s13+$0x0], $0xffff;
	v42 =	vand.u32 $0xF, v29;
	v44 =	vand.u32 $0xF, v37;
	v40 =	vor.u32 v53, v24  }
0xdf: {  	v42 =	vor.u32 v42, v24;
	v41 =	vadd.s32 v27, v54;
	v43 =	vld.idx.msk [tilespmem:v38+s13+$0x0], $0xffff;
	v38 =	vand.u32 $0xFFFFFF80, v38  }
0xe0: {  	v56 =	vor.u32 v44, v24;
	v38 =	vadd.s32 v27, v38;
	v57 =	vld.idx.msk [tilespmem:v23+s13+$0x0], $0xffff;
	v23 =	vand.u32 $0xFFFFFF80, v23  }
0xe1: {  	v23 =	vadd.s32 v27, v23  }
0xe2: {  	[tilespmem:v33+s17+$0x0] =	vst.idx.msk $0xffff, v36  }
0xe3: {  	v25 =	vor.u32 v25, v28;
	v58 =	vld.idx.msk [tilespmem:v39+s13+$0x0], $0xffff;
	[tilespmem:v40+s17+$0x0] =	vst.idx.msk $0xffff, v55  }
0xe4: {  	v60 =	vor.u32 v26, v28;
	v59 =	vld.idx.msk [tilespmem:v41+s13+$0x0], $0xffff;
	[tilespmem:v42+s17+$0x0] =	vst.idx.msk $0xffff, v43  }
0xe5: {  	v62 =	vor.u32 v29, v28;
	s0 =	sadd.s32 $0x1, s0;
	v61 =	vld.idx.msk [tilespmem:v38+s13+$0x0], $0xffff;
	[tilespmem:v56+s17+$0x0] =	vst.idx.msk $0xffff, v57  }
0xe6: {  	v63 =	vor.u32 v37, v28;
	p1 =	sne.s32 s0, $0x17;
	[tilespmem:v32+s17+$0x0] =	vst.idx.msk $0xffff, v30;
	v23 =	vld.idx.msk [tilespmem:v23+s13+$0x0], $0xffff  }
.Ltmp5:
0xe7: {  	[tilespmem:v35+s17+$0x0] =	vst.idx.msk $0xffff, v31;
	(pc) =	sbr.rel @p1 .LBB2_11-.Ltmp5, $4  }
0xe8: {  	[tilespmem:v25+s17+$0x0] =	vst.idx.msk $0xffff, v58  }
0xe9: {  	[tilespmem:v60+s17+$0x0] =	vst.idx.msk $0xffff, v59  }
0xea: {  	[tilespmem:v62+s17+$0x0] =	vst.idx.msk $0xffff, v61  }
0xeb: {  	[tilespmem:v63+s17+$0x0] =	vst.idx.msk $0xffff, v23  }
0xec: {  	_ =	swait.ge [sflag:s18], $0x4000  }
0xed: {  	[sflag:s18] =	ssyncset.done $0x0  }
0xee: {  	s0 =	sadd.s32 s30, s8;
	s30 =	simm.s32 $0x0;
	[sflag:s18] =	ssyncadd.s32 $0xFFFFC000  }
0xef: {  	[tilespmem:s13], [sflag:$0x1] =	stream.linear.gather [hbm4b:s0+s30], $0x4000, $0x38;
	[tilespmem:$0x1EC80] =	vst v63  }
0xf0: {  	s0 =	simm.s32 $0x0  }
.LBB2_15:
0xf1: {  	s1 =	sshll.u32 s0, $0x4  }
0xf2: {  	v31 =	vadd.s32 s30, v0;
	v23 =	vld [tilespmem:s1+$0x180]  }
0xf3: {  	s31 =	simm.s32 $0x1;
	v24 =	vld [tilespmem:s1+$0x300];
	v25 =	vshll.u32 v31, $0x9  }
0xf4: {  	v26 =	vshll.u32 v31, $0x7;
	v35 =	vadd.s32 s31, v0;
	v25 =	vand.u32 $0x1000, v25  }
0xf5: {  	v26 =	vand.u32 $0x380, v26;
	v27 =	vshll.u32 v35, $0x9;
	v28 =	vshll.u32 v35, $0x7  }
0xf6: {  	v25 =	vor.u32 v26, v25;
	v26 =	vand.u32 $0x1000, v27;
	v27 =	vand.u32 $0x380, v28  }
0xf7: {  	s3 =	simm.s32 $0x2;
	v34 =	vand.u32 $0xF, v31;
	v59 =	vand.u32 $0xF, v35;
	v26 =	vor.u32 v27, v26  }
0xf8: {  	v28 =	vshll.u32 v24, $0x7;
	v29 =	vadd.s32 v23, v25;
	v25 =	vadd.s32 s3, v0  }
0xf9: {  	v30 =	vadd.s32 v23, v26;
	v26 =	vand.u32 $0x7F, v23;
	v27 =	vshll.u32 v25, $0x9  }
0xfa: {  	v24 =	vor.u32 $0x60, v28;
	v32 =	vshll.u32 v25, $0x7;
	v33 =	vand.u32 $0x1000, v27  }
0xfb: {  	s31 =	simm.s32 $0x3;
	v32 =	vand.u32 $0x380, v32;
	v27 =	vor.u32 $0x2000, v26;
	v58 =	vor.u32 v34, v24  }
0xfc: {  	v26 =	vadd.s32 s31, v0;
	v39 =	vor.u32 v59, v24;
	v32 =	vor.u32 v32, v33  }
0xfd: {  	v60 =	vshll.u32 v26, $0x7;
	v41 =	vadd.s32 v23, v32;
	v36 =	vld.idx.msk [tilespmem:v29+s16+$0x0], $0xffff;
	v29 =	vand.u32 $0xFFFFFF80, v29  }
0xfe: {  	v38 =	vld.idx.msk [tilespmem:v30+s16+$0x0], $0xffff;
	v37 =	vadd.s32 v27, v29;
	v29 =	vand.u32 $0xFFFFFF80, v30;
	v30 =	vshll.u32 v26, $0x9  }
0xff: {  	v40 =	vadd.s32 v27, v29;
	v29 =	vand.u32 $0x1000, v30;
	v30 =	vand.u32 $0x380, v60  }
0x100: {  	s3 =	simm.s32 $0x4;
	v30 =	vor.u32 v30, v29  }
0x101: {  	v28 =	vor.u32 $0x70, v28;
	v29 =	vadd.s32 s3, v0;
	v34 =	vadd.s32 v23, v30  }
0x102: {  	v63 =	vand.u32 $0xF, v25;
	v30 =	vshll.u32 v29, $0x9;
	v61 =	vshll.u32 v29, $0x7  }
0x103: {  	v35 =	vor.u32 v35, v28;
	[tilespmem:v58+s17+$0x0] =	vst.idx.msk $0xffff, v36;
	v62 =	vand.u32 $0x1000, v30;
	v32 =	vand.u32 $0x380, v61;
	v36 =	vld.idx.msk [tilespmem:v41+s16+$0x0], $0xffff  }
0x104: {  	s31 =	simm.s32 $0x5;
	[tilespmem:v39+s17+$0x0] =	vst.idx.msk $0xffff, v38;
	v30 =	vld.idx.msk [tilespmem:v37+s16+$0x0], $0xffff;
	v38 =	vor.u32 v32, v62;
	v32 =	vor.u32 v31, v28  }
0x105: {  	s1 =	simm.s32 $0x6;
	v33 =	vor.u32 v63, v24;
	v39 =	vand.u32 $0xFFFFFF80, v41;
	v37 =	vadd.s32 s31, v0;
	v31 =	vld.idx.msk [tilespmem:v40+s16+$0x0], $0xffff  }
.LBB2_16:
0x106: {  	p1 =	slt.u32 s1, $0xE;
	v40 =	vshll.u32 v37, $0x9;
	v39 =	vadd.s32 v27, v39;
	v41 =	vand.u32 $0xF, v26;
	v42 =	vld.idx.msk [tilespmem:v34+s16+$0x0], $0xffff;
	v43 =	vmovc v26;
	v26 =	vmovc v37  }
0x107: {  	v34 =	vand.u32 $0xFFFFFF80, v34;
	v37 =	vshll.u32 v26, $0x7;
	v41 =	vor.u32 v41, v24  }
0x108: {  	v40 =	vand.u32 $0x1000, v40;
	v44 =	vadd.s32 v27, v34;
	v37 =	vand.u32 $0x380, v37  }
0x109: {  	v45 =	vadd.s32 v23, v38;
	v34 =	vor.u32 v37, v40;
	[tilespmem:v32+s17+$0x0] =	vst.idx.msk $0xffff, v30  }
.Ltmp6:
0x10a: {  	v40 =	vadd.s32 s1, v0;
	v34 =	vadd.s32 v23, v34;
	[tilespmem:v35+s17+$0x0] =	vst.idx.msk $0xffff, v31;
	(pc) =	sbr.rel @p1 .LBB2_16-.Ltmp6, $4  }
0x10b: {  	v30 =	vshll.u32 v40, $0x9;
	v31 =	vshll.u32 v40, $0x7;
	[tilespmem:v33+s17+$0x0] =	vst.idx.msk $0xffff, v36  }
0x10c: {  	v32 =	vand.u32 $0x1000, v30;
	v31 =	vand.u32 $0x380, v31;
	v33 =	vand.u32 $0xF, v29;
	v30 =	vld.idx.msk [tilespmem:v39+s16+$0x0], $0xffff;
	[tilespmem:v41+s17+$0x0] =	vst.idx.msk $0xffff, v42  }
0x10d: {  	s3 =	sadd.s32 $0x1, s1;
	v38 =	vor.u32 v31, v32;
	v33 =	vor.u32 v33, v24;
	v32 =	vor.u32 v25, v28;
	v31 =	vld.idx.msk [tilespmem:v44+s16+$0x0], $0xffff  }
0x10e: {  	v37 =	vadd.s32 s3, v0;
	s1 =	sadd.s32 $0x2, s1;
	v35 =	vor.u32 v43, v28;
	v39 =	vand.u32 $0xFFFFFF80, v45;
	v25 =	vmovc v29;
	v29 =	vmovc v40;
	v36 =	vld.idx.msk [tilespmem:v45+s16+$0x0], $0xffff  }
0x10f: {  	v40 =	vshll.u32 v37, $0x9;
	v41 =	vshll.u32 v37, $0x7  }
0x110: {  	v40 =	vand.u32 $0x1000, v40;
	v41 =	vand.u32 $0x380, v41  }
0x111: {  	v38 =	vadd.s32 v23, v38;
	v40 =	vor.u32 v41, v40  }
0x112: {  	v23 =	vadd.s32 v23, v40;
	_ =	sdelay $0x1  }
0x113: {  	v39 =	vadd.s32 v27, v39;
	v53 =	vand.u32 $0xF, v26;
	v54 =	vand.u32 $0xFFFFFF80, v34  }
0x114: {  	v55 =	vld.idx.msk [tilespmem:v34+s16+$0x0], $0xffff;
	v42 =	vand.u32 $0xF, v29;
	v44 =	vand.u32 $0xF, v37;
	v40 =	vor.u32 v53, v24  }
0x115: {  	v42 =	vor.u32 v42, v24;
	v41 =	vadd.s32 v27, v54;
	v43 =	vld.idx.msk [tilespmem:v38+s16+$0x0], $0xffff;
	v38 =	vand.u32 $0xFFFFFF80, v38  }
0x116: {  	v56 =	vor.u32 v44, v24;
	v38 =	vadd.s32 v27, v38;
	v57 =	vld.idx.msk [tilespmem:v23+s16+$0x0], $0xffff;
	v23 =	vand.u32 $0xFFFFFF80, v23  }
0x117: {  	v23 =	vadd.s32 v27, v23  }
0x118: {  	[tilespmem:v33+s17+$0x0] =	vst.idx.msk $0xffff, v36  }
0x119: {  	v25 =	vor.u32 v25, v28;
	v58 =	vld.idx.msk [tilespmem:v39+s16+$0x0], $0xffff;
	[tilespmem:v40+s17+$0x0] =	vst.idx.msk $0xffff, v55  }
0x11a: {  	v60 =	vor.u32 v26, v28;
	v59 =	vld.idx.msk [tilespmem:v41+s16+$0x0], $0xffff;
	[tilespmem:v42+s17+$0x0] =	vst.idx.msk $0xffff, v43  }
0x11b: {  	v62 =	vor.u32 v29, v28;
	s0 =	sadd.s32 $0x1, s0;
	v61 =	vld.idx.msk [tilespmem:v38+s16+$0x0], $0xffff;
	[tilespmem:v56+s17+$0x0] =	vst.idx.msk $0xffff, v57  }
0x11c: {  	v63 =	vor.u32 v37, v28;
	p1 =	sne.s32 s0, $0x17;
	[tilespmem:v32+s17+$0x0] =	vst.idx.msk $0xffff, v30;
	v23 =	vld.idx.msk [tilespmem:v23+s16+$0x0], $0xffff  }
.Ltmp7:
0x11d: {  	[tilespmem:v35+s17+$0x0] =	vst.idx.msk $0xffff, v31;
	(pc) =	sbr.rel @p1 .LBB2_15-.Ltmp7, $4  }
0x11e: {  	[tilespmem:v25+s17+$0x0] =	vst.idx.msk $0xffff, v58  }
0x11f: {  	[tilespmem:v60+s17+$0x0] =	vst.idx.msk $0xffff, v59  }
0x120: {  	[tilespmem:v62+s17+$0x0] =	vst.idx.msk $0xffff, v61  }
0x121: {  	[tilespmem:v63+s17+$0x0] =	vst.idx.msk $0xffff, v23  }
0x122: {  	s0 =	sshll.u32 s28, $0x8  }
0x123: {  	s0 =	sadd.s32 s0, s10  }
0x124: {  	[hbm4b:s0+s19] =	stream.strided.scatter [tilespmem:s17], [sflag:$0x3], $0xB000, s20, s19, $0x38;
	[tilespmem:$0x1EC80] =	vst v63  }
0x125: {  	s28 =	sor.u32 $0x1, s29;
	s0 =	sadd.s32 $0xB0000, s0  }
0x126: {  	[hbm4b:s0+s2] =	stream.linear.scatter [tilespmem:s21], [sflag:$0x3], $0x300, $0x38;
	[tilespmem:$0x1EC80] =	vst v63  }
0x127: {  	s29 =	sshll.u32 s28, $0xD;
	_ =	swait.ge [sflag:s15], $0x4000  }
0x128: {  	s30 =	sor.u32 s4, s29;
	[sflag:s15] =	ssyncset.done $0x0  }
0x129: {  	s3 =	sadd.s32 s30, s6;
	s0 =	simm.s32 @!p0 $0x4;
	[sflag:s15] =	ssyncadd.s32 $0xFFFFC000  }
0x12a: {  	[tilespmem:s16], [sflag:$0x2] =	stream.linear.gather [hbm4b:s3+s2], $0x4000, $0x38;
	[tilespmem:$0x1EC80] =	vst v63  }
0x12b: {  	_ =	swait.ge @!p0 [sflag:s0], $0xB300  }
0x12c: {  	[sflag:s0] =	ssyncset.done @!p0 $0x0  }
0x12d: {  	s31 =	simm.s32 $0x0;
	[sflag:s0] =	ssyncadd.s32 @!p0 $0xFFFF4D00;
	s0 =	simm.s32 $0x0  }
.LBB2_19:
0x12e: {  	s1 =	sshll.u32 s0, $0x4  }
0x12f: {  	v31 =	vadd.s32 s31, v0;
	v23 =	vld [tilespmem:s1+$0x180]  }
0x130: {  	s3 =	simm.s32 $0x1;
	v24 =	vld [tilespmem:s1+$0x300];
	v25 =	vshll.u32 v31, $0x9;
	v26 =	vshll.u32 v31, $0x7  }
0x131: {  	v35 =	vadd.s32 s3, v0;
	v33 =	vand.u32 $0xF, v31;
	v25 =	vand.u32 $0x1000, v25  }
0x132: {  	v26 =	vand.u32 $0x380, v26;
	v27 =	vshll.u32 v35, $0x9;
	v28 =	vshll.u32 v35, $0x7  }
0x133: {  	v25 =	vor.u32 v26, v25;
	v26 =	vand.u32 $0x1000, v27;
	v27 =	vand.u32 $0x380, v28  }
0x134: {  	s3 =	simm.s32 $0x2;
	v34 =	vand.u32 $0xF, v35;
	v26 =	vor.u32 v27, v26;
	v28 =	vadd.s32 v23, v25  }
0x135: {  	v24 =	vshll.u32 v24, $0x7;
	v25 =	vadd.s32 s3, v0;
	v29 =	vadd.s32 v23, v26  }
0x136: {  	v26 =	vand.u32 $0x7F, v23;
	v27 =	vshll.u32 v25, $0x9;
	v30 =	vshll.u32 v25, $0x7  }
0x137: {  	s3 =	simm.s32 $0x3;
	v58 =	vor.u32 v24, v33;
	v38 =	vor.u32 v24, v34;
	v32 =	vand.u32 $0x1000, v27  }
0x138: {  	v30 =	vand.u32 $0x380, v30;
	v27 =	vor.u32 $0x2000, v26;
	v26 =	vadd.s32 s3, v0  }
0x139: {  	v30 =	vor.u32 v30, v32;
	v60 =	vshll.u32 v26, $0x7;
	v59 =	vld.idx.msk [tilespmem:v28+s13+$0x0], $0xffff;
	v28 =	vand.u32 $0xFFFFFF80, v28  }
0x13a: {  	v37 =	vld.idx.msk [tilespmem:v29+s13+$0x0], $0xffff;
	v36 =	vadd.s32 v27, v28;
	v28 =	vand.u32 $0xFFFFFF80, v29;
	v29 =	vshll.u32 v26, $0x9  }
0x13b: {  	v34 =	vand.u32 $0x380, v60;
	v40 =	vadd.s32 v23, v30;
	v29 =	vand.u32 $0x1000, v29  }
0x13c: {  	s3 =	simm.s32 $0x4;
	v39 =	vadd.s32 v27, v28;
	v30 =	vor.u32 v34, v29  }
0x13d: {  	v63 =	vand.u32 $0xF, v25;
	v29 =	vadd.s32 s3, v0;
	v34 =	vadd.s32 v23, v30  }
0x13e: {  	v33 =	vor.u32 v24, v63;
	v28 =	vor.u32 $0x10, v24;
	v30 =	vshll.u32 v29, $0x9;
	[tilespmem:v58+s22+$0x0] =	vst.idx.msk $0xffff, v59  }
0x13f: {  	v32 =	vor.u32 v31, v28;
	v41 =	vshll.u32 v29, $0x7;
	v61 =	vand.u32 $0x1000, v30;
	v30 =	vld.idx.msk [tilespmem:v36+s13+$0x0], $0xffff  }
0x140: {  	s3 =	simm.s32 $0x5;
	v35 =	vor.u32 v35, v28;
	v62 =	vand.u32 $0x380, v41;
	[tilespmem:v38+s22+$0x0] =	vst.idx.msk $0xffff, v37;
	v36 =	vld.idx.msk [tilespmem:v40+s13+$0x0], $0xffff  }
0x141: {  	s1 =	simm.s32 $0x6;
	v37 =	vadd.s32 s3, v0;
	v38 =	vor.u32 v62, v61;
	v31 =	vld.idx.msk [tilespmem:v39+s13+$0x0], $0xffff;
	v39 =	vand.u32 $0xFFFFFF80, v40  }
.LBB2_20:
0x142: {  	p1 =	slt.u32 s1, $0xE;
	v40 =	vshll.u32 v37, $0x9;
	v39 =	vadd.s32 v27, v39;
	v41 =	vand.u32 $0xF, v26;
	v42 =	vld.idx.msk [tilespmem:v34+s13+$0x0], $0xffff;
	v43 =	vmovc v26;
	v26 =	vmovc v37  }
0x143: {  	v34 =	vand.u32 $0xFFFFFF80, v34;
	v37 =	vshll.u32 v26, $0x7;
	v41 =	vor.u32 v24, v41  }
0x144: {  	v40 =	vand.u32 $0x1000, v40;
	v44 =	vadd.s32 v27, v34;
	v37 =	vand.u32 $0x380, v37  }
0x145: {  	v45 =	vadd.s32 v23, v38;
	v34 =	vor.u32 v37, v40;
	[tilespmem:v32+s22+$0x0] =	vst.idx.msk $0xffff, v30  }
.Ltmp8:
0x146: {  	v40 =	vadd.s32 s1, v0;
	v34 =	vadd.s32 v23, v34;
	[tilespmem:v35+s22+$0x0] =	vst.idx.msk $0xffff, v31;
	(pc) =	sbr.rel @p1 .LBB2_20-.Ltmp8, $4  }
0x147: {  	v30 =	vshll.u32 v40, $0x9;
	v31 =	vshll.u32 v40, $0x7;
	[tilespmem:v33+s22+$0x0] =	vst.idx.msk $0xffff, v36  }
0x148: {  	v32 =	vand.u32 $0x1000, v30;
	v31 =	vand.u32 $0x380, v31;
	v33 =	vand.u32 $0xF, v29;
	v30 =	vld.idx.msk [tilespmem:v39+s13+$0x0], $0xffff;
	[tilespmem:v41+s22+$0x0] =	vst.idx.msk $0xffff, v42  }
0x149: {  	s3 =	sadd.s32 $0x1, s1;
	v38 =	vor.u32 v31, v32;
	v33 =	vor.u32 v24, v33;
	v32 =	vor.u32 v25, v28;
	v31 =	vld.idx.msk [tilespmem:v44+s13+$0x0], $0xffff  }
0x14a: {  	v37 =	vadd.s32 s3, v0;
	s1 =	sadd.s32 $0x2, s1;
	v35 =	vor.u32 v43, v28;
	v39 =	vand.u32 $0xFFFFFF80, v45;
	v25 =	vmovc v29;
	v29 =	vmovc v40;
	v36 =	vld.idx.msk [tilespmem:v45+s13+$0x0], $0xffff  }
0x14b: {  	v40 =	vshll.u32 v37, $0x9;
	v41 =	vshll.u32 v37, $0x7  }
0x14c: {  	v40 =	vand.u32 $0x1000, v40;
	v41 =	vand.u32 $0x380, v41  }
0x14d: {  	v38 =	vadd.s32 v23, v38;
	v40 =	vor.u32 v41, v40  }
0x14e: {  	v23 =	vadd.s32 v23, v40;
	_ =	sdelay $0x1  }
0x14f: {  	v39 =	vadd.s32 v27, v39;
	v53 =	vand.u32 $0xF, v26;
	v54 =	vand.u32 $0xFFFFFF80, v34  }
0x150: {  	v55 =	vld.idx.msk [tilespmem:v34+s13+$0x0], $0xffff;
	v42 =	vand.u32 $0xF, v29;
	v44 =	vand.u32 $0xF, v37;
	v40 =	vor.u32 v24, v53  }
0x151: {  	v42 =	vor.u32 v24, v42;
	v41 =	vadd.s32 v27, v54;
	v43 =	vld.idx.msk [tilespmem:v38+s13+$0x0], $0xffff;
	v38 =	vand.u32 $0xFFFFFF80, v38  }
0x152: {  	v56 =	vor.u32 v24, v44;
	v38 =	vadd.s32 v27, v38;
	v57 =	vld.idx.msk [tilespmem:v23+s13+$0x0], $0xffff;
	v23 =	vand.u32 $0xFFFFFF80, v23  }
0x153: {  	v23 =	vadd.s32 v27, v23  }
0x154: {  	[tilespmem:v33+s22+$0x0] =	vst.idx.msk $0xffff, v36  }
0x155: {  	v25 =	vor.u32 v25, v28;
	v58 =	vld.idx.msk [tilespmem:v39+s13+$0x0], $0xffff;
	[tilespmem:v40+s22+$0x0] =	vst.idx.msk $0xffff, v55  }
0x156: {  	v60 =	vor.u32 v26, v28;
	v59 =	vld.idx.msk [tilespmem:v41+s13+$0x0], $0xffff;
	[tilespmem:v42+s22+$0x0] =	vst.idx.msk $0xffff, v43  }
0x157: {  	v62 =	vor.u32 v29, v28;
	s0 =	sadd.s32 $0x1, s0;
	v61 =	vld.idx.msk [tilespmem:v38+s13+$0x0], $0xffff;
	[tilespmem:v56+s22+$0x0] =	vst.idx.msk $0xffff, v57  }
0x158: {  	v63 =	vor.u32 v37, v28;
	p1 =	sne.s32 s0, $0x17;
	[tilespmem:v32+s22+$0x0] =	vst.idx.msk $0xffff, v30;
	v23 =	vld.idx.msk [tilespmem:v23+s13+$0x0], $0xffff  }
.Ltmp9:
0x159: {  	[tilespmem:v35+s22+$0x0] =	vst.idx.msk $0xffff, v31;
	(pc) =	sbr.rel @p1 .LBB2_19-.Ltmp9, $4  }
0x15a: {  	[tilespmem:v25+s22+$0x0] =	vst.idx.msk $0xffff, v58  }
0x15b: {  	[tilespmem:v60+s22+$0x0] =	vst.idx.msk $0xffff, v59  }
0x15c: {  	[tilespmem:v62+s22+$0x0] =	vst.idx.msk $0xffff, v61  }
0x15d: {  	[tilespmem:v63+s22+$0x0] =	vst.idx.msk $0xffff, v23  }
0x15e: {  	_ =	swait.ge [sflag:s18], $0x4000  }
0x15f: {  	[sflag:s18] =	ssyncset.done $0x0  }
0x160: {  	s0 =	sadd.s32 s30, s7;
	s31 =	simm.s32 $0x0;
	[sflag:s18] =	ssyncadd.s32 $0xFFFFC000  }
0x161: {  	[tilespmem:s13], [sflag:$0x1] =	stream.linear.gather [hbm4b:s0+s31], $0x4000, $0x38;
	[tilespmem:$0x1EC80] =	vst v63  }
0x162: {  	s0 =	simm.s32 $0x0  }
.LBB2_23:
0x163: {  	s1 =	sshll.u32 s0, $0x4  }
0x164: {  	v31 =	vadd.s32 s31, v0;
	v23 =	vld [tilespmem:s1+$0x180]  }
0x165: {  	s3 =	simm.s32 $0x1;
	v24 =	vld [tilespmem:s1+$0x300];
	v25 =	vshll.u32 v31, $0x9  }
0x166: {  	v26 =	vshll.u32 v31, $0x7;
	v35 =	vadd.s32 s3, v0;
	v25 =	vand.u32 $0x1000, v25  }
0x167: {  	v26 =	vand.u32 $0x380, v26;
	v27 =	vshll.u32 v35, $0x9;
	v28 =	vshll.u32 v35, $0x7  }
0x168: {  	v25 =	vor.u32 v26, v25;
	v26 =	vand.u32 $0x1000, v27;
	v27 =	vand.u32 $0x380, v28  }
0x169: {  	s3 =	simm.s32 $0x2;
	v34 =	vand.u32 $0xF, v31;
	v59 =	vand.u32 $0xF, v35;
	v26 =	vor.u32 v27, v26  }
0x16a: {  	v28 =	vshll.u32 v24, $0x7;
	v29 =	vadd.s32 v23, v25;
	v25 =	vadd.s32 s3, v0  }
0x16b: {  	v30 =	vadd.s32 v23, v26;
	v26 =	vand.u32 $0x7F, v23;
	v27 =	vshll.u32 v25, $0x9  }
0x16c: {  	v24 =	vor.u32 $0x20, v28;
	v32 =	vshll.u32 v25, $0x7;
	v33 =	vand.u32 $0x1000, v27  }
0x16d: {  	s3 =	simm.s32 $0x3;
	v32 =	vand.u32 $0x380, v32;
	v27 =	vor.u32 $0x2000, v26;
	v58 =	vor.u32 v34, v24  }
0x16e: {  	v26 =	vadd.s32 s3, v0;
	v39 =	vor.u32 v59, v24;
	v32 =	vor.u32 v32, v33  }
0x16f: {  	v60 =	vshll.u32 v26, $0x7;
	v41 =	vadd.s32 v23, v32;
	v36 =	vld.idx.msk [tilespmem:v29+s16+$0x0], $0xffff;
	v29 =	vand.u32 $0xFFFFFF80, v29  }
0x170: {  	v38 =	vld.idx.msk [tilespmem:v30+s16+$0x0], $0xffff;
	v37 =	vadd.s32 v27, v29;
	v29 =	vand.u32 $0xFFFFFF80, v30;
	v30 =	vshll.u32 v26, $0x9  }
0x171: {  	v40 =	vadd.s32 v27, v29;
	v29 =	vand.u32 $0x1000, v30;
	v30 =	vand.u32 $0x380, v60  }
0x172: {  	s3 =	simm.s32 $0x4;
	v30 =	vor.u32 v30, v29  }
0x173: {  	v28 =	vor.u32 $0x30, v28;
	v29 =	vadd.s32 s3, v0;
	v34 =	vadd.s32 v23, v30  }
0x174: {  	v63 =	vand.u32 $0xF, v25;
	v30 =	vshll.u32 v29, $0x9;
	v61 =	vshll.u32 v29, $0x7  }
0x175: {  	v35 =	vor.u32 v35, v28;
	[tilespmem:v58+s22+$0x0] =	vst.idx.msk $0xffff, v36;
	v62 =	vand.u32 $0x1000, v30;
	v32 =	vand.u32 $0x380, v61;
	v36 =	vld.idx.msk [tilespmem:v41+s16+$0x0], $0xffff  }
0x176: {  	s3 =	simm.s32 $0x5;
	[tilespmem:v39+s22+$0x0] =	vst.idx.msk $0xffff, v38;
	v30 =	vld.idx.msk [tilespmem:v37+s16+$0x0], $0xffff;
	v38 =	vor.u32 v32, v62;
	v32 =	vor.u32 v31, v28  }
0x177: {  	s1 =	simm.s32 $0x6;
	v33 =	vor.u32 v63, v24;
	v39 =	vand.u32 $0xFFFFFF80, v41;
	v37 =	vadd.s32 s3, v0;
	v31 =	vld.idx.msk [tilespmem:v40+s16+$0x0], $0xffff  }
.LBB2_24:
0x178: {  	p1 =	slt.u32 s1, $0xE;
	v40 =	vshll.u32 v37, $0x9;
	v39 =	vadd.s32 v27, v39;
	v41 =	vand.u32 $0xF, v26;
	v42 =	vld.idx.msk [tilespmem:v34+s16+$0x0], $0xffff;
	v43 =	vmovc v26;
	v26 =	vmovc v37  }
0x179: {  	v34 =	vand.u32 $0xFFFFFF80, v34;
	v37 =	vshll.u32 v26, $0x7;
	v41 =	vor.u32 v41, v24  }
0x17a: {  	v40 =	vand.u32 $0x1000, v40;
	v44 =	vadd.s32 v27, v34;
	v37 =	vand.u32 $0x380, v37  }
0x17b: {  	v45 =	vadd.s32 v23, v38;
	v34 =	vor.u32 v37, v40;
	[tilespmem:v32+s22+$0x0] =	vst.idx.msk $0xffff, v30  }
.Ltmp10:
0x17c: {  	v40 =	vadd.s32 s1, v0;
	v34 =	vadd.s32 v23, v34;
	[tilespmem:v35+s22+$0x0] =	vst.idx.msk $0xffff, v31;
	(pc) =	sbr.rel @p1 .LBB2_24-.Ltmp10, $4  }
0x17d: {  	v30 =	vshll.u32 v40, $0x9;
	v31 =	vshll.u32 v40, $0x7;
	[tilespmem:v33+s22+$0x0] =	vst.idx.msk $0xffff, v36  }
0x17e: {  	v32 =	vand.u32 $0x1000, v30;
	v31 =	vand.u32 $0x380, v31;
	v33 =	vand.u32 $0xF, v29;
	v30 =	vld.idx.msk [tilespmem:v39+s16+$0x0], $0xffff;
	[tilespmem:v41+s22+$0x0] =	vst.idx.msk $0xffff, v42  }
0x17f: {  	s3 =	sadd.s32 $0x1, s1;
	v38 =	vor.u32 v31, v32;
	v33 =	vor.u32 v33, v24;
	v32 =	vor.u32 v25, v28;
	v31 =	vld.idx.msk [tilespmem:v44+s16+$0x0], $0xffff  }
0x180: {  	v37 =	vadd.s32 s3, v0;
	s1 =	sadd.s32 $0x2, s1;
	v35 =	vor.u32 v43, v28;
	v39 =	vand.u32 $0xFFFFFF80, v45;
	v25 =	vmovc v29;
	v29 =	vmovc v40;
	v36 =	vld.idx.msk [tilespmem:v45+s16+$0x0], $0xffff  }
0x181: {  	v40 =	vshll.u32 v37, $0x9;
	v41 =	vshll.u32 v37, $0x7  }
0x182: {  	v40 =	vand.u32 $0x1000, v40;
	v41 =	vand.u32 $0x380, v41  }
0x183: {  	v38 =	vadd.s32 v23, v38;
	v40 =	vor.u32 v41, v40  }
0x184: {  	v23 =	vadd.s32 v23, v40;
	_ =	sdelay $0x1  }
0x185: {  	v39 =	vadd.s32 v27, v39;
	v53 =	vand.u32 $0xF, v26;
	v54 =	vand.u32 $0xFFFFFF80, v34  }
0x186: {  	v55 =	vld.idx.msk [tilespmem:v34+s16+$0x0], $0xffff;
	v42 =	vand.u32 $0xF, v29;
	v44 =	vand.u32 $0xF, v37;
	v40 =	vor.u32 v53, v24  }
0x187: {  	v42 =	vor.u32 v42, v24;
	v41 =	vadd.s32 v27, v54;
	v43 =	vld.idx.msk [tilespmem:v38+s16+$0x0], $0xffff;
	v38 =	vand.u32 $0xFFFFFF80, v38  }
0x188: {  	v56 =	vor.u32 v44, v24;
	v38 =	vadd.s32 v27, v38;
	v57 =	vld.idx.msk [tilespmem:v23+s16+$0x0], $0xffff;
	v23 =	vand.u32 $0xFFFFFF80, v23  }
0x189: {  	v23 =	vadd.s32 v27, v23  }
0x18a: {  	[tilespmem:v33+s22+$0x0] =	vst.idx.msk $0xffff, v36  }
0x18b: {  	v25 =	vor.u32 v25, v28;
	v58 =	vld.idx.msk [tilespmem:v39+s16+$0x0], $0xffff;
	[tilespmem:v40+s22+$0x0] =	vst.idx.msk $0xffff, v55  }
0x18c: {  	v60 =	vor.u32 v26, v28;
	v59 =	vld.idx.msk [tilespmem:v41+s16+$0x0], $0xffff;
	[tilespmem:v42+s22+$0x0] =	vst.idx.msk $0xffff, v43  }
0x18d: {  	v62 =	vor.u32 v29, v28;
	s0 =	sadd.s32 $0x1, s0;
	v61 =	vld.idx.msk [tilespmem:v38+s16+$0x0], $0xffff;
	[tilespmem:v56+s22+$0x0] =	vst.idx.msk $0xffff, v57  }
0x18e: {  	v63 =	vor.u32 v37, v28;
	p1 =	sne.s32 s0, $0x17;
	[tilespmem:v32+s22+$0x0] =	vst.idx.msk $0xffff, v30;
	v23 =	vld.idx.msk [tilespmem:v23+s16+$0x0], $0xffff  }
.Ltmp11:
0x18f: {  	[tilespmem:v35+s22+$0x0] =	vst.idx.msk $0xffff, v31;
	(pc) =	sbr.rel @p1 .LBB2_23-.Ltmp11, $4  }
0x190: {  	[tilespmem:v25+s22+$0x0] =	vst.idx.msk $0xffff, v58  }
0x191: {  	[tilespmem:v60+s22+$0x0] =	vst.idx.msk $0xffff, v59  }
0x192: {  	[tilespmem:v62+s22+$0x0] =	vst.idx.msk $0xffff, v61  }
0x193: {  	[tilespmem:v63+s22+$0x0] =	vst.idx.msk $0xffff, v23  }
0x194: {  	_ =	swait.ge [sflag:s15], $0x4000  }
0x195: {  	[sflag:s15] =	ssyncset.done $0x0  }
0x196: {  	s0 =	sadd.s32 s30, s9;
	s30 =	simm.s32 $0x0;
	[sflag:s15] =	ssyncadd.s32 $0xFFFFC000  }
0x197: {  	[tilespmem:s16], [sflag:$0x2] =	stream.linear.gather [hbm4b:s0+s30], $0x4000, $0x38;
	[tilespmem:$0x1EC80] =	vst v63  }
0x198: {  	s0 =	simm.s32 $0x0  }
.LBB2_27:
0x199: {  	s1 =	sshll.u32 s0, $0x4  }
0x19a: {  	v31 =	vadd.s32 s30, v0;
	v23 =	vld [tilespmem:s1+$0x180]  }
0x19b: {  	s31 =	simm.s32 $0x1;
	v24 =	vld [tilespmem:s1+$0x300];
	v25 =	vshll.u32 v31, $0x9  }
0x19c: {  	v26 =	vshll.u32 v31, $0x7;
	v35 =	vadd.s32 s31, v0;
	v25 =	vand.u32 $0x1000, v25  }
0x19d: {  	v26 =	vand.u32 $0x380, v26;
	v27 =	vshll.u32 v35, $0x9;
	v28 =	vshll.u32 v35, $0x7  }
0x19e: {  	v25 =	vor.u32 v26, v25;
	v26 =	vand.u32 $0x1000, v27;
	v27 =	vand.u32 $0x380, v28  }
0x19f: {  	s3 =	simm.s32 $0x2;
	v34 =	vand.u32 $0xF, v31;
	v59 =	vand.u32 $0xF, v35;
	v26 =	vor.u32 v27, v26  }
0x1a0: {  	v28 =	vshll.u32 v24, $0x7;
	v29 =	vadd.s32 v23, v25;
	v25 =	vadd.s32 s3, v0  }
0x1a1: {  	v30 =	vadd.s32 v23, v26;
	v26 =	vand.u32 $0x7F, v23;
	v27 =	vshll.u32 v25, $0x9  }
0x1a2: {  	v24 =	vor.u32 $0x40, v28;
	v32 =	vshll.u32 v25, $0x7;
	v33 =	vand.u32 $0x1000, v27  }
0x1a3: {  	s31 =	simm.s32 $0x3;
	v32 =	vand.u32 $0x380, v32;
	v27 =	vor.u32 $0x2000, v26;
	v58 =	vor.u32 v34, v24  }
0x1a4: {  	v26 =	vadd.s32 s31, v0;
	v39 =	vor.u32 v59, v24;
	v32 =	vor.u32 v32, v33  }
0x1a5: {  	v60 =	vshll.u32 v26, $0x7;
	v41 =	vadd.s32 v23, v32;
	v36 =	vld.idx.msk [tilespmem:v29+s13+$0x0], $0xffff;
	v29 =	vand.u32 $0xFFFFFF80, v29  }
0x1a6: {  	v38 =	vld.idx.msk [tilespmem:v30+s13+$0x0], $0xffff;
	v37 =	vadd.s32 v27, v29;
	v29 =	vand.u32 $0xFFFFFF80, v30;
	v30 =	vshll.u32 v26, $0x9  }
0x1a7: {  	v40 =	vadd.s32 v27, v29;
	v29 =	vand.u32 $0x1000, v30;
	v30 =	vand.u32 $0x380, v60  }
0x1a8: {  	s3 =	simm.s32 $0x4;
	v30 =	vor.u32 v30, v29  }
0x1a9: {  	v28 =	vor.u32 $0x50, v28;
	v29 =	vadd.s32 s3, v0;
	v34 =	vadd.s32 v23, v30  }
0x1aa: {  	v63 =	vand.u32 $0xF, v25;
	v30 =	vshll.u32 v29, $0x9;
	v61 =	vshll.u32 v29, $0x7  }
0x1ab: {  	v35 =	vor.u32 v35, v28;
	[tilespmem:v58+s22+$0x0] =	vst.idx.msk $0xffff, v36;
	v62 =	vand.u32 $0x1000, v30;
	v32 =	vand.u32 $0x380, v61;
	v36 =	vld.idx.msk [tilespmem:v41+s13+$0x0], $0xffff  }
0x1ac: {  	s31 =	simm.s32 $0x5;
	[tilespmem:v39+s22+$0x0] =	vst.idx.msk $0xffff, v38;
	v30 =	vld.idx.msk [tilespmem:v37+s13+$0x0], $0xffff;
	v38 =	vor.u32 v32, v62;
	v32 =	vor.u32 v31, v28  }
0x1ad: {  	s1 =	simm.s32 $0x6;
	v33 =	vor.u32 v63, v24;
	v39 =	vand.u32 $0xFFFFFF80, v41;
	v37 =	vadd.s32 s31, v0;
	v31 =	vld.idx.msk [tilespmem:v40+s13+$0x0], $0xffff  }
.LBB2_28:
0x1ae: {  	p1 =	slt.u32 s1, $0xE;
	v40 =	vshll.u32 v37, $0x9;
	v39 =	vadd.s32 v27, v39;
	v41 =	vand.u32 $0xF, v26;
	v42 =	vld.idx.msk [tilespmem:v34+s13+$0x0], $0xffff;
	v43 =	vmovc v26;
	v26 =	vmovc v37  }
0x1af: {  	v34 =	vand.u32 $0xFFFFFF80, v34;
	v37 =	vshll.u32 v26, $0x7;
	v41 =	vor.u32 v41, v24  }
0x1b0: {  	v40 =	vand.u32 $0x1000, v40;
	v44 =	vadd.s32 v27, v34;
	v37 =	vand.u32 $0x380, v37  }
0x1b1: {  	v45 =	vadd.s32 v23, v38;
	v34 =	vor.u32 v37, v40;
	[tilespmem:v32+s22+$0x0] =	vst.idx.msk $0xffff, v30  }
.Ltmp12:
0x1b2: {  	v40 =	vadd.s32 s1, v0;
	v34 =	vadd.s32 v23, v34;
	[tilespmem:v35+s22+$0x0] =	vst.idx.msk $0xffff, v31;
	(pc) =	sbr.rel @p1 .LBB2_28-.Ltmp12, $4  }
0x1b3: {  	v30 =	vshll.u32 v40, $0x9;
	v31 =	vshll.u32 v40, $0x7;
	[tilespmem:v33+s22+$0x0] =	vst.idx.msk $0xffff, v36  }
0x1b4: {  	v32 =	vand.u32 $0x1000, v30;
	v31 =	vand.u32 $0x380, v31;
	v33 =	vand.u32 $0xF, v29;
	v30 =	vld.idx.msk [tilespmem:v39+s13+$0x0], $0xffff;
	[tilespmem:v41+s22+$0x0] =	vst.idx.msk $0xffff, v42  }
0x1b5: {  	s3 =	sadd.s32 $0x1, s1;
	v38 =	vor.u32 v31, v32;
	v33 =	vor.u32 v33, v24;
	v32 =	vor.u32 v25, v28;
	v31 =	vld.idx.msk [tilespmem:v44+s13+$0x0], $0xffff  }
0x1b6: {  	v37 =	vadd.s32 s3, v0;
	s1 =	sadd.s32 $0x2, s1;
	v35 =	vor.u32 v43, v28;
	v39 =	vand.u32 $0xFFFFFF80, v45;
	v25 =	vmovc v29;
	v29 =	vmovc v40;
	v36 =	vld.idx.msk [tilespmem:v45+s13+$0x0], $0xffff  }
0x1b7: {  	v40 =	vshll.u32 v37, $0x9;
	v41 =	vshll.u32 v37, $0x7  }
0x1b8: {  	v40 =	vand.u32 $0x1000, v40;
	v41 =	vand.u32 $0x380, v41  }
0x1b9: {  	v38 =	vadd.s32 v23, v38;
	v40 =	vor.u32 v41, v40  }
0x1ba: {  	v23 =	vadd.s32 v23, v40;
	_ =	sdelay $0x1  }
0x1bb: {  	v39 =	vadd.s32 v27, v39;
	v53 =	vand.u32 $0xF, v26;
	v54 =	vand.u32 $0xFFFFFF80, v34  }
0x1bc: {  	v55 =	vld.idx.msk [tilespmem:v34+s13+$0x0], $0xffff;
	v42 =	vand.u32 $0xF, v29;
	v44 =	vand.u32 $0xF, v37;
	v40 =	vor.u32 v53, v24  }
0x1bd: {  	v42 =	vor.u32 v42, v24;
	v41 =	vadd.s32 v27, v54;
	v43 =	vld.idx.msk [tilespmem:v38+s13+$0x0], $0xffff;
	v38 =	vand.u32 $0xFFFFFF80, v38  }
0x1be: {  	v56 =	vor.u32 v44, v24;
	v38 =	vadd.s32 v27, v38;
	v57 =	vld.idx.msk [tilespmem:v23+s13+$0x0], $0xffff;
	v23 =	vand.u32 $0xFFFFFF80, v23  }
0x1bf: {  	v23 =	vadd.s32 v27, v23  }
0x1c0: {  	[tilespmem:v33+s22+$0x0] =	vst.idx.msk $0xffff, v36  }
0x1c1: {  	v25 =	vor.u32 v25, v28;
	v58 =	vld.idx.msk [tilespmem:v39+s13+$0x0], $0xffff;
	[tilespmem:v40+s22+$0x0] =	vst.idx.msk $0xffff, v55  }
0x1c2: {  	v60 =	vor.u32 v26, v28;
	v59 =	vld.idx.msk [tilespmem:v41+s13+$0x0], $0xffff;
	[tilespmem:v42+s22+$0x0] =	vst.idx.msk $0xffff, v43  }
0x1c3: {  	v62 =	vor.u32 v29, v28;
	s0 =	sadd.s32 $0x1, s0;
	v61 =	vld.idx.msk [tilespmem:v38+s13+$0x0], $0xffff;
	[tilespmem:v56+s22+$0x0] =	vst.idx.msk $0xffff, v57  }
0x1c4: {  	v63 =	vor.u32 v37, v28;
	p1 =	sne.s32 s0, $0x17;
	[tilespmem:v32+s22+$0x0] =	vst.idx.msk $0xffff, v30;
	v23 =	vld.idx.msk [tilespmem:v23+s13+$0x0], $0xffff  }
.Ltmp13:
0x1c5: {  	[tilespmem:v35+s22+$0x0] =	vst.idx.msk $0xffff, v31;
	(pc) =	sbr.rel @p1 .LBB2_27-.Ltmp13, $4  }
0x1c6: {  	[tilespmem:v25+s22+$0x0] =	vst.idx.msk $0xffff, v58  }
0x1c7: {  	[tilespmem:v60+s22+$0x0] =	vst.idx.msk $0xffff, v59  }
0x1c8: {  	[tilespmem:v62+s22+$0x0] =	vst.idx.msk $0xffff, v61  }
0x1c9: {  	[tilespmem:v63+s22+$0x0] =	vst.idx.msk $0xffff, v23  }
0x1ca: {  	_ =	swait.ge [sflag:s18], $0x4000  }
0x1cb: {  	s0 =	sadd.s32 @p0 s29, s11;
	[sflag:s18] =	ssyncset.done $0x0  }
0x1cc: {  	s1 =	simm.s32 @p0 $0x0;
	s3 =	simm.s32 @p0 $0x480;
	[sflag:s18] =	ssyncadd.s32 $0xFFFFC000  }
0x1cd: {  	[tilespmem:s3], [sflag:$0x1] =	stream.linear.gather @p0 [hbm4b:s0+s1], $0x4000, $0x38;
	[tilespmem:$0x1EC80] =	vst v63  }
0x1ce: {  	s29 =	simm.s32 $0x0;
	s0 =	simm.s32 $0x0  }
.LBB2_31:
0x1cf: {  	s1 =	sshll.u32 s0, $0x4  }
0x1d0: {  	v31 =	vadd.s32 s29, v0;
	v23 =	vld [tilespmem:s1+$0x180]  }
0x1d1: {  	s30 =	simm.s32 $0x1;
	v24 =	vld [tilespmem:s1+$0x300];
	v25 =	vshll.u32 v31, $0x9  }
0x1d2: {  	v26 =	vshll.u32 v31, $0x7;
	v35 =	vadd.s32 s30, v0;
	v25 =	vand.u32 $0x1000, v25  }
0x1d3: {  	v26 =	vand.u32 $0x380, v26;
	v27 =	vshll.u32 v35, $0x9;
	v28 =	vshll.u32 v35, $0x7  }
0x1d4: {  	v25 =	vor.u32 v26, v25;
	v26 =	vand.u32 $0x1000, v27;
	v27 =	vand.u32 $0x380, v28  }
0x1d5: {  	s31 =	simm.s32 $0x2;
	v34 =	vand.u32 $0xF, v31;
	v59 =	vand.u32 $0xF, v35;
	v26 =	vor.u32 v27, v26  }
0x1d6: {  	v28 =	vshll.u32 v24, $0x7;
	v29 =	vadd.s32 v23, v25;
	v25 =	vadd.s32 s31, v0  }
0x1d7: {  	v30 =	vadd.s32 v23, v26;
	v26 =	vand.u32 $0x7F, v23;
	v27 =	vshll.u32 v25, $0x9  }
0x1d8: {  	v24 =	vor.u32 $0x60, v28;
	v32 =	vshll.u32 v25, $0x7;
	v33 =	vand.u32 $0x1000, v27  }
0x1d9: {  	s3 =	simm.s32 $0x3;
	v32 =	vand.u32 $0x380, v32;
	v27 =	vor.u32 $0x2000, v26;
	v58 =	vor.u32 v34, v24  }
0x1da: {  	v26 =	vadd.s32 s3, v0;
	v39 =	vor.u32 v59, v24;
	v32 =	vor.u32 v32, v33  }
0x1db: {  	v60 =	vshll.u32 v26, $0x7;
	v41 =	vadd.s32 v23, v32;
	v36 =	vld.idx.msk [tilespmem:v29+s16+$0x0], $0xffff;
	v29 =	vand.u32 $0xFFFFFF80, v29  }
0x1dc: {  	v38 =	vld.idx.msk [tilespmem:v30+s16+$0x0], $0xffff;
	v37 =	vadd.s32 v27, v29;
	v29 =	vand.u32 $0xFFFFFF80, v30;
	v30 =	vshll.u32 v26, $0x9  }
0x1dd: {  	v40 =	vadd.s32 v27, v29;
	v29 =	vand.u32 $0x1000, v30;
	v30 =	vand.u32 $0x380, v60  }
0x1de: {  	s30 =	simm.s32 $0x4;
	v30 =	vor.u32 v30, v29  }
0x1df: {  	v28 =	vor.u32 $0x70, v28;
	v29 =	vadd.s32 s30, v0;
	v34 =	vadd.s32 v23, v30  }
0x1e0: {  	v63 =	vand.u32 $0xF, v25;
	v30 =	vshll.u32 v29, $0x9;
	v61 =	vshll.u32 v29, $0x7  }
0x1e1: {  	v35 =	vor.u32 v35, v28;
	[tilespmem:v58+s22+$0x0] =	vst.idx.msk $0xffff, v36;
	v62 =	vand.u32 $0x1000, v30;
	v32 =	vand.u32 $0x380, v61;
	v36 =	vld.idx.msk [tilespmem:v41+s16+$0x0], $0xffff  }
0x1e2: {  	s31 =	simm.s32 $0x5;
	[tilespmem:v39+s22+$0x0] =	vst.idx.msk $0xffff, v38;
	v30 =	vld.idx.msk [tilespmem:v37+s16+$0x0], $0xffff;
	v38 =	vor.u32 v32, v62;
	v32 =	vor.u32 v31, v28  }
0x1e3: {  	s1 =	simm.s32 $0x6;
	v33 =	vor.u32 v63, v24;
	v39 =	vand.u32 $0xFFFFFF80, v41;
	v37 =	vadd.s32 s31, v0;
	v31 =	vld.idx.msk [tilespmem:v40+s16+$0x0], $0xffff  }
.LBB2_32:
0x1e4: {  	p1 =	slt.u32 s1, $0xE;
	v40 =	vshll.u32 v37, $0x9;
	v39 =	vadd.s32 v27, v39;
	v41 =	vand.u32 $0xF, v26;
	v42 =	vld.idx.msk [tilespmem:v34+s16+$0x0], $0xffff;
	v43 =	vmovc v26;
	v26 =	vmovc v37  }
0x1e5: {  	v34 =	vand.u32 $0xFFFFFF80, v34;
	v37 =	vshll.u32 v26, $0x7;
	v41 =	vor.u32 v41, v24  }
0x1e6: {  	v40 =	vand.u32 $0x1000, v40;
	v44 =	vadd.s32 v27, v34;
	v37 =	vand.u32 $0x380, v37  }
0x1e7: {  	v45 =	vadd.s32 v23, v38;
	v34 =	vor.u32 v37, v40;
	[tilespmem:v32+s22+$0x0] =	vst.idx.msk $0xffff, v30  }
.Ltmp14:
0x1e8: {  	v40 =	vadd.s32 s1, v0;
	v34 =	vadd.s32 v23, v34;
	[tilespmem:v35+s22+$0x0] =	vst.idx.msk $0xffff, v31;
	(pc) =	sbr.rel @p1 .LBB2_32-.Ltmp14, $4  }
0x1e9: {  	v30 =	vshll.u32 v40, $0x9;
	v31 =	vshll.u32 v40, $0x7;
	[tilespmem:v33+s22+$0x0] =	vst.idx.msk $0xffff, v36  }
0x1ea: {  	v32 =	vand.u32 $0x1000, v30;
	v31 =	vand.u32 $0x380, v31;
	v33 =	vand.u32 $0xF, v29;
	v30 =	vld.idx.msk [tilespmem:v39+s16+$0x0], $0xffff;
	[tilespmem:v41+s22+$0x0] =	vst.idx.msk $0xffff, v42  }
0x1eb: {  	s3 =	sadd.s32 $0x1, s1;
	v38 =	vor.u32 v31, v32;
	v33 =	vor.u32 v33, v24;
	v32 =	vor.u32 v25, v28;
	v31 =	vld.idx.msk [tilespmem:v44+s16+$0x0], $0xffff  }
0x1ec: {  	v37 =	vadd.s32 s3, v0;
	s1 =	sadd.s32 $0x2, s1;
	v35 =	vor.u32 v43, v28;
	v39 =	vand.u32 $0xFFFFFF80, v45;
	v25 =	vmovc v29;
	v29 =	vmovc v40;
	v36 =	vld.idx.msk [tilespmem:v45+s16+$0x0], $0xffff  }
0x1ed: {  	v40 =	vshll.u32 v37, $0x9;
	v41 =	vshll.u32 v37, $0x7  }
0x1ee: {  	v40 =	vand.u32 $0x1000, v40;
	v41 =	vand.u32 $0x380, v41  }
0x1ef: {  	v38 =	vadd.s32 v23, v38;
	v40 =	vor.u32 v41, v40  }
0x1f0: {  	v23 =	vadd.s32 v23, v40;
	_ =	sdelay $0x1  }
0x1f1: {  	v39 =	vadd.s32 v27, v39;
	v53 =	vand.u32 $0xF, v26;
	v54 =	vand.u32 $0xFFFFFF80, v34  }
0x1f2: {  	v55 =	vld.idx.msk [tilespmem:v34+s16+$0x0], $0xffff;
	v42 =	vand.u32 $0xF, v29;
	v44 =	vand.u32 $0xF, v37;
	v40 =	vor.u32 v53, v24  }
0x1f3: {  	v42 =	vor.u32 v42, v24;
	v41 =	vadd.s32 v27, v54;
	v43 =	vld.idx.msk [tilespmem:v38+s16+$0x0], $0xffff;
	v38 =	vand.u32 $0xFFFFFF80, v38  }
0x1f4: {  	v56 =	vor.u32 v44, v24;
	v38 =	vadd.s32 v27, v38;
	v57 =	vld.idx.msk [tilespmem:v23+s16+$0x0], $0xffff;
	v23 =	vand.u32 $0xFFFFFF80, v23  }
0x1f5: {  	v23 =	vadd.s32 v27, v23  }
0x1f6: {  	[tilespmem:v33+s22+$0x0] =	vst.idx.msk $0xffff, v36  }
0x1f7: {  	v25 =	vor.u32 v25, v28;
	v58 =	vld.idx.msk [tilespmem:v39+s16+$0x0], $0xffff;
	[tilespmem:v40+s22+$0x0] =	vst.idx.msk $0xffff, v55  }
0x1f8: {  	v60 =	vor.u32 v26, v28;
	v59 =	vld.idx.msk [tilespmem:v41+s16+$0x0], $0xffff;
	[tilespmem:v42+s22+$0x0] =	vst.idx.msk $0xffff, v43  }
0x1f9: {  	v62 =	vor.u32 v29, v28;
	s0 =	sadd.s32 $0x1, s0;
	v61 =	vld.idx.msk [tilespmem:v38+s16+$0x0], $0xffff;
	[tilespmem:v56+s22+$0x0] =	vst.idx.msk $0xffff, v57  }
0x1fa: {  	v63 =	vor.u32 v37, v28;
	p1 =	sne.s32 s0, $0x17;
	[tilespmem:v32+s22+$0x0] =	vst.idx.msk $0xffff, v30;
	v23 =	vld.idx.msk [tilespmem:v23+s16+$0x0], $0xffff  }
.Ltmp15:
0x1fb: {  	[tilespmem:v35+s22+$0x0] =	vst.idx.msk $0xffff, v31;
	(pc) =	sbr.rel @p1 .LBB2_31-.Ltmp15, $4  }
0x1fc: {  	[tilespmem:v25+s22+$0x0] =	vst.idx.msk $0xffff, v58  }
0x1fd: {  	[tilespmem:v60+s22+$0x0] =	vst.idx.msk $0xffff, v59  }
0x1fe: {  	[tilespmem:v62+s22+$0x0] =	vst.idx.msk $0xffff, v61  }
0x1ff: {  	[tilespmem:v63+s22+$0x0] =	vst.idx.msk $0xffff, v23  }
.Ltmp16:
0x200: {  	s0 =	sshll.u32 s28, $0x7;
	(pc) =	sbr.rel @p0 .LBB2_2-.Ltmp16, $4  }
0x201: {  	s0 =	sadd.s32 s0, s10  }
0x202: {  	[hbm4b:s0+s19] =	stream.strided.scatter [tilespmem:s22], [sflag:$0x4], $0xB000, s20, s19, $0x38;
	[tilespmem:$0x1EC80] =	vst v63  }
0x203: {  	s28 =	simm.s32 $0x1;
	p1 =	por $0x0, $0x0;
	s0 =	sadd.s32 $0xB0000, s0  }
0x204: {  	[hbm4b:s0+s2] =	stream.linear.scatter [tilespmem:s23], [sflag:$0x4], $0x300, $0x38;
	[tilespmem:$0x1EC80] =	vst v63  }
0x205: {  	s26 =	sadd.s32 $0x1, s26  }
0x206: {  	_ =	swait.ge [sflag:s24], $0xB300;
	p0 =	sne.s32 s26, s12  }
.Ltmp17:
0x207: {  	[sflag:s24] =	ssyncset.done $0x0;
	(pc) =	sbr.rel @p0 .LBB2_1-.Ltmp17, $4  }
0x208: {  	[sflag:s24] =	ssyncadd.s32 $0xFFFF4D00  }
0x209: {  	_ =	swait.ge [sflag:s25], $0xB300  }
0x20a: {  	[sflag:s25] =	ssyncset.done $0x0  }
0x20b: {  	[sflag:s25] =	ssyncadd.s32 $0xFFFF4D00  }
0x20c: {  	_ =	sfence.sel $0x180000  }
0x20d: {  	[bflag:$0x0] =	sbarrier.arrive $0xFFFF  }
0x20e: {  	_ =	strace $0x90000047  }
0x20f: {  	s0 =	stileid.u32;
	[bflag:$0x2] =	sbarrier.arrive $0xFFFF  }
0x210: {  	p0 =	sne.s32 s0, $0x0;
	s0 =	rddreg [dreg:$0x3]  }
0x211: {  	s0 =	sadd.s32 @!p0 $0x100000, s0  }
0x212: {  	[sflag:s0] =	ssyncadd.tile.s32 @!p0 $0x1;
	_ =	shalt  }
.Lfunc_end2:
_tile_overlayer_lowered:
.L_overlay_start_2:
0x213: {  	(tag) =	ssettag $0x2  }
0x214: {  	s0 =	rddreg [dreg:$0x0];
	s2 =	stileid.u32  }
0x215: {  	s1 =	rddreg [dreg:$0x1];
	p0 =	sne.s32 s2, $0x0  }
0x216: {  	s3 =	rddreg [dreg:$0x2];
	[bflag:$0x3] =	sbarrier.arrive $0xFFFF;
	s2 =	simm.s32 @!p0 $0x1C05  }
0x217: {  	[timem:s3], [sflag:s2] =	dma.local @!p0 [hbm:s0], s1  }
0x218: {  	s0 =	simm.s32 @!p0 $0x5  }
0x219: {  	_ =	swait.ge @!p0 [sflag:s0], s1  }
0x21a: {  	s1 =	ssub.s32 @!p0 $0x0, s1;
	[sflag:s0] =	ssyncset.done @!p0 $0x0  }
0x21b: {  	[sflag:s0] =	ssyncadd.s32 @!p0 s1  }
0x21c: {  	[bflag:$0x3] =	sbarrier.arrive $0xFFFF  }
0x21d: {  	_ =	shalt  }

</sc_bundles>
